<compile_context>
chip_gen: v7x
topology: tpu7x:2x2x1
jax: 0.10.2.dev20260603
libtpu: 0.0.44.dev20260713+nightly
codegen_flags: <defaults>
</compile_context>

<pallas_src>
import functools

import jax
import jax.numpy as jnp
from jax import lax
from jax.experimental import pallas as pl
from jax.experimental.pallas import tpu as pltpu
from jax.experimental.pallas import tpu_sc as plsc

_NCATS = 100000
_BATCH = 1024
_HIST = 200
_LANES = 16
_SPLIT = 49920
_C0 = _SPLIT
_C1 = _NCATS - _SPLIT
_BUF = _C1

_info = plsc.get_sparse_core_info()
_NC = _info.num_cores
_NW = _NC * _info.num_subcores
_ROWS_PER_W = _BATCH // _NW

_WINDOWS = [j * _LANES for j in range(_HIST // _LANES)]
if _HIST % _LANES:
    _WINDOWS.append(_HIST - _LANES)

_mesh = plsc.VectorSubcoreMesh(core_axis_name="c", subcore_axis_name="s")


@functools.partial(
    pl.kernel,
    mesh=_mesh,
    out_type=jax.ShapeDtypeStruct((_BATCH, _NCATS), jnp.float32),
    scratch_types=[
        pltpu.VMEM((_BUF,), jnp.float32),
        pltpu.VMEM((_BUF,), jnp.float32),
        pltpu.VMEM((_ROWS_PER_W, _HIST), jnp.int32),
        pltpu.SemaphoreType.DMA,
        pltpu.SemaphoreType.DMA,
        pltpu.SemaphoreType.DMA,
    ],
    compiler_params=pltpu.CompilerParams(needs_layout_passes=False),
)
def _encode(x_hbm, out_hbm, buf_a, buf_b, idx_v, sem_a, sem_b, sem_i):
    wid = lax.axis_index("s") * _NC + lax.axis_index("c")
    row0 = wid * _ROWS_PER_W
    zeros16 = jnp.zeros((_LANES,), jnp.float32)
    ones16 = jnp.ones((_LANES,), jnp.float32)

    idx_copy = pltpu.make_async_copy(
        x_hbm.at[pl.ds(row0, _ROWS_PER_W)], idx_v, sem_i
    )
    idx_copy.start()

    def _zero_fill(buf):
        def zero_body(i, carry):
            base = i * (10 * _LANES)
            for j in range(10):
                buf[pl.ds(base + j * _LANES, _LANES)] = zeros16
            return carry

        lax.fori_loop(0, _BUF // (10 * _LANES), zero_body, 0)

    _zero_fill(buf_a)
    idx_copy.wait()

    def scatter_row(r, buf, half, val16):
        for off in _WINDOWS:
            v = idx_v[r, pl.ds(off, _LANES)]
            if half == 0:
                m = v < _SPLIT
                local = v
            else:
                m = v >= _SPLIT
                local = v - _SPLIT
            plsc.store_scatter(
                buf, [jnp.where(m, local, 0)], val16, mask=m
            )

    scatter_row(0, buf_a, 0, ones16)
    pltpu.make_async_copy(
        buf_a.at[pl.ds(0, _C0)], out_hbm.at[row0, pl.ds(0, _C0)], sem_a
    ).start()
    _zero_fill(buf_b)
    scatter_row(0, buf_b, 1, ones16)
    pltpu.make_async_copy(
        buf_b, out_hbm.at[row0, pl.ds(_SPLIT, _C1)], sem_b
    ).start()

    def row_body(r, carry):
        row = row0 + r

        @pl.when(r > 0)
        def _():
            pltpu.make_async_copy(
                buf_a.at[pl.ds(0, _C0)], out_hbm.at[row, pl.ds(0, _C0)], sem_a
            ).wait()
            scatter_row(r - 1, buf_a, 0, zeros16)

        scatter_row(r, buf_a, 0, ones16)
        pltpu.make_async_copy(
            buf_a.at[pl.ds(0, _C0)], out_hbm.at[row, pl.ds(0, _C0)], sem_a
        ).start()

        @pl.when(r > 0)
        def _():
            pltpu.make_async_copy(
                buf_b, out_hbm.at[row, pl.ds(_SPLIT, _C1)], sem_b
            ).wait()
            scatter_row(r - 1, buf_b, 1, zeros16)

        scatter_row(r, buf_b, 1, ones16)
        pltpu.make_async_copy(
            buf_b, out_hbm.at[row, pl.ds(_SPLIT, _C1)], sem_b
        ).start()
        return carry

    lax.fori_loop(1, _ROWS_PER_W, row_body, 0)

    last = row0 + _ROWS_PER_W - 1
    pltpu.make_async_copy(
        buf_a.at[pl.ds(0, _C0)], out_hbm.at[last, pl.ds(0, _C0)], sem_a
    ).wait()
    pltpu.make_async_copy(
        buf_b, out_hbm.at[last, pl.ds(_SPLIT, _C1)], sem_b
    ).wait()


def kernel(x):
    return _encode(x)

# --- scband reference (transcript-rebuilt; emitter-appended) ---
"""Pipeline reference for scband-path-encoding-27376121544843 (READ-ONLY COPY).

The authoritative reference and input builder live on the scoring server;
editing this copy changes nothing except your own understanding.
"""

import jax, jax.numpy as jnp
import numpy as np

N_CATS = 100000
BATCH = 1024
HIST = 200

def setup_inputs(seed: int = 0) -> dict:
    key = jax.random.key(seed)
    # int32 used for JAX portability (torch side uses int64); values in [0, N_CATS)
    x = jax.random.randint(key, (BATCH, HIST), 0, N_CATS, dtype=jnp.int32)
    return {"x": x}

def reference(x) -> jnp.ndarray:
    # Faithful translation of PathEncoding.forward:
    #   result = zeros(shape[..., n_cats], dtype=x.dtype)
    #   result.scatter_(dim=-1, index=x, src=ones_like(x))
    #   return result.float()
    bs = x.shape[0]
    out_shape = x.shape[:-1] + (N_CATS,)
    result = jnp.zeros(out_shape, dtype=x.dtype)
    batch_idx = jnp.arange(bs, dtype=x.dtype)[:, None]
    # scatter-overwrite along last dim (duplicates all write 1, so set is exact)
    result = result.at[batch_idx, x].set(jnp.ones_like(x))
    return result.astype(jnp.float32)

if __name__ == "__main__":
    import jax
    _d = setup_inputs()
    print(jax.jit(kernel)(*tuple(_d.values())))

</pallas_src>

<mosaic_0001>
#map = affine_map<(d0, d1) -> (0, 0)>
module attributes {stable_mosaic.version = 14 : i64} {
  func.func @_encode(%arg0: i32, %arg1: i32, %arg2: memref<1024x200xi32, #tpu.memory_space<hbm>>, %arg3: memref<1024x100000xf32, #tpu.memory_space<hbm>>, %arg4: memref<50080xf32, #tpu.memory_space<vmem>>, %arg5: memref<50080xf32, #tpu.memory_space<vmem>>, %arg6: memref<32x200xi32, #tpu.memory_space<vmem>>, %arg7: memref<!tpu.dma_semaphore, #tpu.memory_space<semaphore_mem>>, %arg8: memref<!tpu.dma_semaphore, #tpu.memory_space<semaphore_mem>>, %arg9: memref<!tpu.dma_semaphore, #tpu.memory_space<semaphore_mem>>) attributes {dimension_semantics = [#tpu.dimension_semantics<core_parallel>, #tpu.dimension_semantics<subcore_parallel>], iteration_bounds = array<i64: 2, 16>, scalar_prefetch = 0 : i64, scratch_operands = 6 : i64, tpu.core_type = #tpu.core_type<sc_vector_subcore>, window_params = [{transform_indices = #map}, {transform_indices = #map}]} {
    %mul3A = arith.constant 2 : i32
    %mul3A_0 = arith.muli %arg1, %mul3A : i32
    %add3A = arith.addi %mul3A_0, %arg0 : i32
    %mul3A_1 = arith.constant 32 : i32
    %mul3A_2 = arith.muli %add3A, %mul3A_1 : i32
    %broadcast_in_dim3A = arith.constant 0.000000e+00 : f32
    %broadcast_in_dim3A_3 = vector.broadcast %broadcast_in_dim3A : f32 to vector<16xf32>
    %broadcast_in_dim3A_4 = arith.constant 1.000000e+00 : f32
    %broadcast_in_dim3A_5 = vector.broadcast %broadcast_in_dim3A_4 : f32 to vector<16xf32>
    %dma_start3A = arith.constant 0 : i32
    %dma_start3A_6 = tpu.memref_slice %arg2[%mul3A_2, %dma_start3A] : memref<1024x200xi32, #tpu.memory_space<hbm>> -> memref<32x200xi32, #tpu.memory_space<hbm>>
    %dma_start3A_7 = arith.constant 0 : i32
    %dma_start3A_8 = tpu.memref_slice %arg2[%mul3A_2, %dma_start3A_7] : memref<1024x200xi32, #tpu.memory_space<hbm>> -> memref<32x200xi32, #tpu.memory_space<hbm>>
    tpu.enqueue_dma source(%dma_start3A_8 : memref<32x200xi32, #tpu.memory_space<hbm>>) target(%arg6 : memref<32x200xi32, #tpu.memory_space<vmem>>) target_semaphore(%arg9 : memref<!tpu.dma_semaphore, #tpu.memory_space<semaphore_mem>>)
    %scan3A = arith.constant 0 : i32
    %scan3A_9 = arith.constant 0 : i32
    %scan3A_10 = arith.constant 313 : i32
    %scan3A_11 = arith.addi %scan3A_9, %scan3A_10 : i32
    %scan3A_12 = arith.constant 1 : i32
    scf.for %scan3A_358 = %scan3A_9 to %scan3A_11 step %scan3A_12  : i32 {
      %mul3A_359 = arith.constant 160 : i32
      %mul3A_360 = arith.muli %scan3A_358, %mul3A_359 : i32
      %add3A_361 = arith.constant 0 : i32
      %add3A_362 = arith.addi %mul3A_360, %add3A_361 : i32
      %swap3A = arith.index_cast %add3A_362 : i32 to index
      %swap3A_363 = tpu.vector_load %arg4[%swap3A] {strides = array<i32>} : memref<50080xf32, #tpu.memory_space<vmem>>, vector<16xf32>,
      tpu.vector_store %arg4[%swap3A], %broadcast_in_dim3A_3 {strides = array<i32>} : memref<50080xf32, #tpu.memory_space<vmem>>, vector<16xf32>,
      %add3A_364 = arith.constant 16 : i32
      %add3A_365 = arith.addi %mul3A_360, %add3A_364 : i32
      %swap3A_366 = arith.index_cast %add3A_365 : i32 to index
      %swap3A_367 = tpu.vector_load %arg4[%swap3A_366] {strides = array<i32>} : memref<50080xf32, #tpu.memory_space<vmem>>, vector<16xf32>,
      tpu.vector_store %arg4[%swap3A_366], %broadcast_in_dim3A_3 {strides = array<i32>} : memref<50080xf32, #tpu.memory_space<vmem>>, vector<16xf32>,
      %add3A_368 = arith.constant 32 : i32
      %add3A_369 = arith.addi %mul3A_360, %add3A_368 : i32
      %swap3A_370 = arith.index_cast %add3A_369 : i32 to index
      %swap3A_371 = tpu.vector_load %arg4[%swap3A_370] {strides = array<i32>} : memref<50080xf32, #tpu.memory_space<vmem>>, vector<16xf32>,
      tpu.vector_store %arg4[%swap3A_370], %broadcast_in_dim3A_3 {strides = array<i32>} : memref<50080xf32, #tpu.memory_space<vmem>>, vector<16xf32>,
      %add3A_372 = arith.constant 48 : i32
      %add3A_373 = arith.addi %mul3A_360, %add3A_372 : i32
      %swap3A_374 = arith.index_cast %add3A_373 : i32 to index
      %swap3A_375 = tpu.vector_load %arg4[%swap3A_374] {strides = array<i32>} : memref<50080xf32, #tpu.memory_space<vmem>>, vector<16xf32>,
      tpu.vector_store %arg4[%swap3A_374], %broadcast_in_dim3A_3 {strides = array<i32>} : memref<50080xf32, #tpu.memory_space<vmem>>, vector<16xf32>,
      %add3A_376 = arith.constant 64 : i32
      %add3A_377 = arith.addi %mul3A_360, %add3A_376 : i32
      %swap3A_378 = arith.index_cast %add3A_377 : i32 to index
      %swap3A_379 = tpu.vector_load %arg4[%swap3A_378] {strides = array<i32>} : memref<50080xf32, #tpu.memory_space<vmem>>, vector<16xf32>,
      tpu.vector_store %arg4[%swap3A_378], %broadcast_in_dim3A_3 {strides = array<i32>} : memref<50080xf32, #tpu.memory_space<vmem>>, vector<16xf32>,
      %add3A_380 = arith.constant 80 : i32
      %add3A_381 = arith.addi %mul3A_360, %add3A_380 : i32
      %swap3A_382 = arith.index_cast %add3A_381 : i32 to index
      %swap3A_383 = tpu.vector_load %arg4[%swap3A_382] {strides = array<i32>} : memref<50080xf32, #tpu.memory_space<vmem>>, vector<16xf32>,
      tpu.vector_store %arg4[%swap3A_382], %broadcast_in_dim3A_3 {strides = array<i32>} : memref<50080xf32, #tpu.memory_space<vmem>>, vector<16xf32>,
      %add3A_384 = arith.constant 96 : i32
      %add3A_385 = arith.addi %mul3A_360, %add3A_384 : i32
      %swap3A_386 = arith.index_cast %add3A_385 : i32 to index
      %swap3A_387 = tpu.vector_load %arg4[%swap3A_386] {strides = array<i32>} : memref<50080xf32, #tpu.memory_space<vmem>>, vector<16xf32>,
      tpu.vector_store %arg4[%swap3A_386], %broadcast_in_dim3A_3 {strides = array<i32>} : memref<50080xf32, #tpu.memory_space<vmem>>, vector<16xf32>,
      %add3A_388 = arith.constant 112 : i32
      %add3A_389 = arith.addi %mul3A_360, %add3A_388 : i32
      %swap3A_390 = arith.index_cast %add3A_389 : i32 to index
      %swap3A_391 = tpu.vector_load %arg4[%swap3A_390] {strides = array<i32>} : memref<50080xf32, #tpu.memory_space<vmem>>, vector<16xf32>,
      tpu.vector_store %arg4[%swap3A_390], %broadcast_in_dim3A_3 {strides = array<i32>} : memref<50080xf32, #tpu.memory_space<vmem>>, vector<16xf32>,
      %add3A_392 = arith.constant 128 : i32
      %add3A_393 = arith.addi %mul3A_360, %add3A_392 : i32
      %swap3A_394 = arith.index_cast %add3A_393 : i32 to index
      %swap3A_395 = tpu.vector_load %arg4[%swap3A_394] {strides = array<i32>} : memref<50080xf32, #tpu.memory_space<vmem>>, vector<16xf32>,
      tpu.vector_store %arg4[%swap3A_394], %broadcast_in_dim3A_3 {strides = array<i32>} : memref<50080xf32, #tpu.memory_space<vmem>>, vector<16xf32>,
      %add3A_396 = arith.constant 144 : i32
      %add3A_397 = arith.addi %mul3A_360, %add3A_396 : i32
      %swap3A_398 = arith.index_cast %add3A_397 : i32 to index
      %swap3A_399 = tpu.vector_load %arg4[%swap3A_398] {strides = array<i32>} : memref<50080xf32, #tpu.memory_space<vmem>>, vector<16xf32>,
      tpu.vector_store %arg4[%swap3A_398], %broadcast_in_dim3A_3 {strides = array<i32>} : memref<50080xf32, #tpu.memory_space<vmem>>, vector<16xf32>,
    }
    %scan3A_13 = arith.constant 313 : i32
    %dma_wait3A = arith.constant 0 : i32
    %dma_wait3A_14 = tpu.memref_slice %arg2[%mul3A_2, %dma_wait3A] : memref<1024x200xi32, #tpu.memory_space<hbm>> -> memref<32x200xi32, #tpu.memory_space<hbm>>
    %dma_wait3A_15 = arith.constant 0 : i32
    %dma_wait3A_16 = tpu.memref_slice %arg2[%mul3A_2, %dma_wait3A_15] : memref<1024x200xi32, #tpu.memory_space<hbm>> -> memref<32x200xi32, #tpu.memory_space<hbm>>
    tpu.wait_dma2 semaphore(%arg9 : memref<!tpu.dma_semaphore, #tpu.memory_space<semaphore_mem>>) src(%dma_wait3A_16 : memref<32x200xi32, #tpu.memory_space<hbm>>) dst(%arg6 : memref<32x200xi32, #tpu.memory_space<vmem>>)
    %get3A = arith.constant 0 : i32
    %get3A_17 = arith.index_cast %get3A : i32 to index
    %get3A_18 = arith.constant 0 : index
    %get3A_19 = tpu.vector_load %arg6[%get3A_17, %get3A_18] {strides = array<i32>} : memref<32x200xi32, #tpu.memory_space<vmem>>, vector<16xi32>,
    %lt3A = arith.constant 49920 : i32
    %lt3A_20 = vector.broadcast %lt3A : i32 to vector<16xi32>
    %lt3A_21 = arith.cmpi slt, %get3A_19, %lt3A_20 : vector<16xi32>
    %jit3A = arith.constant 0 : i32
    %broadcast_in_dim3A_22 = vector.broadcast %jit3A : i32 to vector<16xi32>
    %select_n3A = arith.select %lt3A_21, %get3A_19, %broadcast_in_dim3A_22 : vector<16xi1>, vector<16xi32>
    tpu.vector_store_idx %arg4[%select_n3A], %broadcast_in_dim3A_5 masked %lt3A_21 : memref<50080xf32, #tpu.memory_space<vmem>>[vector<16xi32>], vector<16xf32>, vector<16xi1>
    %get3A_23 = arith.constant 0 : i32
    %get3A_24 = arith.index_cast %get3A_23 : i32 to index
    %get3A_25 = arith.constant 16 : index
    %get3A_26 = tpu.vector_load %arg6[%get3A_24, %get3A_25] {strides = array<i32>} : memref<32x200xi32, #tpu.memory_space<vmem>>, vector<16xi32>,
    %lt3A_27 = arith.constant 49920 : i32
    %lt3A_28 = vector.broadcast %lt3A_27 : i32 to vector<16xi32>
    %lt3A_29 = arith.cmpi slt, %get3A_26, %lt3A_28 : vector<16xi32>
    %jit3A_30 = arith.constant 0 : i32
    %broadcast_in_dim3A_31 = vector.broadcast %jit3A_30 : i32 to vector<16xi32>
    %select_n3A_32 = arith.select %lt3A_29, %get3A_26, %broadcast_in_dim3A_31 : vector<16xi1>, vector<16xi32>
    tpu.vector_store_idx %arg4[%select_n3A_32], %broadcast_in_dim3A_5 masked %lt3A_29 : memref<50080xf32, #tpu.memory_space<vmem>>[vector<16xi32>], vector<16xf32>, vector<16xi1>
    %get3A_33 = arith.constant 0 : i32
    %get3A_34 = arith.index_cast %get3A_33 : i32 to index
    %get3A_35 = arith.constant 32 : index
    %get3A_36 = tpu.vector_load %arg6[%get3A_34, %get3A_35] {strides = array<i32>} : memref<32x200xi32, #tpu.memory_space<vmem>>, vector<16xi32>,
    %lt3A_37 = arith.constant 49920 : i32
    %lt3A_38 = vector.broadcast %lt3A_37 : i32 to vector<16xi32>
    %lt3A_39 = arith.cmpi slt, %get3A_36, %lt3A_38 : vector<16xi32>
    %jit3A_40 = arith.constant 0 : i32
    %broadcast_in_dim3A_41 = vector.broadcast %jit3A_40 : i32 to vector<16xi32>
    %select_n3A_42 = arith.select %lt3A_39, %get3A_36, %broadcast_in_dim3A_41 : vector<16xi1>, vector<16xi32>
    tpu.vector_store_idx %arg4[%select_n3A_42], %broadcast_in_dim3A_5 masked %lt3A_39 : memref<50080xf32, #tpu.memory_space<vmem>>[vector<16xi32>], vector<16xf32>, vector<16xi1>
    %get3A_43 = arith.constant 0 : i32
    %get3A_44 = arith.index_cast %get3A_43 : i32 to index
    %get3A_45 = arith.constant 48 : index
    %get3A_46 = tpu.vector_load %arg6[%get3A_44, %get3A_45] {strides = array<i32>} : memref<32x200xi32, #tpu.memory_space<vmem>>, vector<16xi32>,
    %lt3A_47 = arith.constant 49920 : i32
    %lt3A_48 = vector.broadcast %lt3A_47 : i32 to vector<16xi32>
    %lt3A_49 = arith.cmpi slt, %get3A_46, %lt3A_48 : vector<16xi32>
    %jit3A_50 = arith.constant 0 : i32
    %broadcast_in_dim3A_51 = vector.broadcast %jit3A_50 : i32 to vector<16xi32>
    %select_n3A_52 = arith.select %lt3A_49, %get3A_46, %broadcast_in_dim3A_51 : vector<16xi1>, vector<16xi32>
    tpu.vector_store_idx %arg4[%select_n3A_52], %broadcast_in_dim3A_5 masked %lt3A_49 : memref<50080xf32, #tpu.memory_space<vmem>>[vector<16xi32>], vector<16xf32>, vector<16xi1>
    %get3A_53 = arith.constant 0 : i32
    %get3A_54 = arith.index_cast %get3A_53 : i32 to index
    %get3A_55 = arith.constant 64 : index
    %get3A_56 = tpu.vector_load %arg6[%get3A_54, %get3A_55] {strides = array<i32>} : memref<32x200xi32, #tpu.memory_space<vmem>>, vector<16xi32>,
    %lt3A_57 = arith.constant 49920 : i32
    %lt3A_58 = vector.broadcast %lt3A_57 : i32 to vector<16xi32>
    %lt3A_59 = arith.cmpi slt, %get3A_56, %lt3A_58 : vector<16xi32>
    %jit3A_60 = arith.constant 0 : i32
    %broadcast_in_dim3A_61 = vector.broadcast %jit3A_60 : i32 to vector<16xi32>
    %select_n3A_62 = arith.select %lt3A_59, %get3A_56, %broadcast_in_dim3A_61 : vector<16xi1>, vector<16xi32>
    tpu.vector_store_idx %arg4[%select_n3A_62], %broadcast_in_dim3A_5 masked %lt3A_59 : memref<50080xf32, #tpu.memory_space<vmem>>[vector<16xi32>], vector<16xf32>, vector<16xi1>
    %get3A_63 = arith.constant 0 : i32
    %get3A_64 = arith.index_cast %get3A_63 : i32 to index
    %get3A_65 = arith.constant 80 : index
    %get3A_66 = tpu.vector_load %arg6[%get3A_64, %get3A_65] {strides = array<i32>} : memref<32x200xi32, #tpu.memory_space<vmem>>, vector<16xi32>,
    %lt3A_67 = arith.constant 49920 : i32
    %lt3A_68 = vector.broadcast %lt3A_67 : i32 to vector<16xi32>
    %lt3A_69 = arith.cmpi slt, %get3A_66, %lt3A_68 : vector<16xi32>
    %jit3A_70 = arith.constant 0 : i32
    %broadcast_in_dim3A_71 = vector.broadcast %jit3A_70 : i32 to vector<16xi32>
    %select_n3A_72 = arith.select %lt3A_69, %get3A_66, %broadcast_in_dim3A_71 : vector<16xi1>, vector<16xi32>
    tpu.vector_store_idx %arg4[%select_n3A_72], %broadcast_in_dim3A_5 masked %lt3A_69 : memref<50080xf32, #tpu.memory_space<vmem>>[vector<16xi32>], vector<16xf32>, vector<16xi1>
    %get3A_73 = arith.constant 0 : i32
    %get3A_74 = arith.index_cast %get3A_73 : i32 to index
    %get3A_75 = arith.constant 96 : index
    %get3A_76 = tpu.vector_load %arg6[%get3A_74, %get3A_75] {strides = array<i32>} : memref<32x200xi32, #tpu.memory_space<vmem>>, vector<16xi32>,
    %lt3A_77 = arith.constant 49920 : i32
    %lt3A_78 = vector.broadcast %lt3A_77 : i32 to vector<16xi32>
    %lt3A_79 = arith.cmpi slt, %get3A_76, %lt3A_78 : vector<16xi32>
    %jit3A_80 = arith.constant 0 : i32
    %broadcast_in_dim3A_81 = vector.broadcast %jit3A_80 : i32 to vector<16xi32>
    %select_n3A_82 = arith.select %lt3A_79, %get3A_76, %broadcast_in_dim3A_81 : vector<16xi1>, vector<16xi32>
    tpu.vector_store_idx %arg4[%select_n3A_82], %broadcast_in_dim3A_5 masked %lt3A_79 : memref<50080xf32, #tpu.memory_space<vmem>>[vector<16xi32>], vector<16xf32>, vector<16xi1>
    %get3A_83 = arith.constant 0 : i32
    %get3A_84 = arith.index_cast %get3A_83 : i32 to index
    %get3A_85 = arith.constant 112 : index
    %get3A_86 = tpu.vector_load %arg6[%get3A_84, %get3A_85] {strides = array<i32>} : memref<32x200xi32, #tpu.memory_space<vmem>>, vector<16xi32>,
    %lt3A_87 = arith.constant 49920 : i32
    %lt3A_88 = vector.broadcast %lt3A_87 : i32 to vector<16xi32>
    %lt3A_89 = arith.cmpi slt, %get3A_86, %lt3A_88 : vector<16xi32>
    %jit3A_90 = arith.constant 0 : i32
    %broadcast_in_dim3A_91 = vector.broadcast %jit3A_90 : i32 to vector<16xi32>
    %select_n3A_92 = arith.select %lt3A_89, %get3A_86, %broadcast_in_dim3A_91 : vector<16xi1>, vector<16xi32>
    tpu.vector_store_idx %arg4[%select_n3A_92], %broadcast_in_dim3A_5 masked %lt3A_89 : memref<50080xf32, #tpu.memory_space<vmem>>[vector<16xi32>], vector<16xf32>, vector<16xi1>
    %get3A_93 = arith.constant 0 : i32
    %get3A_94 = arith.index_cast %get3A_93 : i32 to index
    %get3A_95 = arith.constant 128 : index
    %get3A_96 = tpu.vector_load %arg6[%get3A_94, %get3A_95] {strides = array<i32>} : memref<32x200xi32, #tpu.memory_space<vmem>>, vector<16xi32>,
    %lt3A_97 = arith.constant 49920 : i32
    %lt3A_98 = vector.broadcast %lt3A_97 : i32 to vector<16xi32>
    %lt3A_99 = arith.cmpi slt, %get3A_96, %lt3A_98 : vector<16xi32>
    %jit3A_100 = arith.constant 0 : i32
    %broadcast_in_dim3A_101 = vector.broadcast %jit3A_100 : i32 to vector<16xi32>
    %select_n3A_102 = arith.select %lt3A_99, %get3A_96, %broadcast_in_dim3A_101 : vector<16xi1>, vector<16xi32>
    tpu.vector_store_idx %arg4[%select_n3A_102], %broadcast_in_dim3A_5 masked %lt3A_99 : memref<50080xf32, #tpu.memory_space<vmem>>[vector<16xi32>], vector<16xf32>, vector<16xi1>
    %get3A_103 = arith.constant 0 : i32
    %get3A_104 = arith.index_cast %get3A_103 : i32 to index
    %get3A_105 = arith.constant 144 : index
    %get3A_106 = tpu.vector_load %arg6[%get3A_104, %get3A_105] {strides = array<i32>} : memref<32x200xi32, #tpu.memory_space<vmem>>, vector<16xi32>,
    %lt3A_107 = arith.constant 49920 : i32
    %lt3A_108 = vector.broadcast %lt3A_107 : i32 to vector<16xi32>
    %lt3A_109 = arith.cmpi slt, %get3A_106, %lt3A_108 : vector<16xi32>
    %jit3A_110 = arith.constant 0 : i32
    %broadcast_in_dim3A_111 = vector.broadcast %jit3A_110 : i32 to vector<16xi32>
    %select_n3A_112 = arith.select %lt3A_109, %get3A_106, %broadcast_in_dim3A_111 : vector<16xi1>, vector<16xi32>
    tpu.vector_store_idx %arg4[%select_n3A_112], %broadcast_in_dim3A_5 masked %lt3A_109 : memref<50080xf32, #tpu.memory_space<vmem>>[vector<16xi32>], vector<16xf32>, vector<16xi1>
    %get3A_113 = arith.constant 0 : i32
    %get3A_114 = arith.index_cast %get3A_113 : i32 to index
    %get3A_115 = arith.constant 160 : index
    %get3A_116 = tpu.vector_load %arg6[%get3A_114, %get3A_115] {strides = array<i32>} : memref<32x200xi32, #tpu.memory_space<vmem>>, vector<16xi32>,
    %lt3A_117 = arith.constant 49920 : i32
    %lt3A_118 = vector.broadcast %lt3A_117 : i32 to vector<16xi32>
    %lt3A_119 = arith.cmpi slt, %get3A_116, %lt3A_118 : vector<16xi32>
    %jit3A_120 = arith.constant 0 : i32
    %broadcast_in_dim3A_121 = vector.broadcast %jit3A_120 : i32 to vector<16xi32>
    %select_n3A_122 = arith.select %lt3A_119, %get3A_116, %broadcast_in_dim3A_121 : vector<16xi1>, vector<16xi32>
    tpu.vector_store_idx %arg4[%select_n3A_122], %broadcast_in_dim3A_5 masked %lt3A_119 : memref<50080xf32, #tpu.memory_space<vmem>>[vector<16xi32>], vector<16xf32>, vector<16xi1>
    %get3A_123 = arith.constant 0 : i32
    %get3A_124 = arith.index_cast %get3A_123 : i32 to index
    %get3A_125 = arith.constant 176 : index
    %get3A_126 = tpu.vector_load %arg6[%get3A_124, %get3A_125] {strides = array<i32>} : memref<32x200xi32, #tpu.memory_space<vmem>>, vector<16xi32>,
    %lt3A_127 = arith.constant 49920 : i32
    %lt3A_128 = vector.broadcast %lt3A_127 : i32 to vector<16xi32>
    %lt3A_129 = arith.cmpi slt, %get3A_126, %lt3A_128 : vector<16xi32>
    %jit3A_130 = arith.constant 0 : i32
    %broadcast_in_dim3A_131 = vector.broadcast %jit3A_130 : i32 to vector<16xi32>
    %select_n3A_132 = arith.select %lt3A_129, %get3A_126, %broadcast_in_dim3A_131 : vector<16xi1>, vector<16xi32>
    tpu.vector_store_idx %arg4[%select_n3A_132], %broadcast_in_dim3A_5 masked %lt3A_129 : memref<50080xf32, #tpu.memory_space<vmem>>[vector<16xi32>], vector<16xf32>, vector<16xi1>
    %get3A_133 = arith.constant 0 : i32
    %get3A_134 = arith.index_cast %get3A_133 : i32 to index
    %get3A_135 = arith.constant 184 : index
    %get3A_136 = tpu.vector_load %arg6[%get3A_134, %get3A_135] {strides = array<i32>} : memref<32x200xi32, #tpu.memory_space<vmem>>, vector<16xi32>,
    %lt3A_137 = arith.constant 49920 : i32
    %lt3A_138 = vector.broadcast %lt3A_137 : i32 to vector<16xi32>
    %lt3A_139 = arith.cmpi slt, %get3A_136, %lt3A_138 : vector<16xi32>
    %jit3A_140 = arith.constant 0 : i32
    %broadcast_in_dim3A_141 = vector.broadcast %jit3A_140 : i32 to vector<16xi32>
    %select_n3A_142 = arith.select %lt3A_139, %get3A_136, %broadcast_in_dim3A_141 : vector<16xi1>, vector<16xi32>
    tpu.vector_store_idx %arg4[%select_n3A_142], %broadcast_in_dim3A_5 masked %lt3A_139 : memref<50080xf32, #tpu.memory_space<vmem>>[vector<16xi32>], vector<16xf32>, vector<16xi1>
    %dma_start3A_143 = arith.constant 0 : i32
    %dma_start3A_144 = tpu.memref_slice %arg4[%dma_start3A_143] : memref<50080xf32, #tpu.memory_space<vmem>> -> memref<49920xf32, #tpu.memory_space<vmem>>
    %dma_start3A_145 = arith.constant 0 : i32
    %dma_start3A_146 = tpu.memref_slice %arg3[%mul3A_2, %dma_start3A_145] : memref<1024x100000xf32, #tpu.memory_space<hbm>> -> memref<1x49920xf32, #tpu.memory_space<hbm>>
    %dma_start3A_147 = tpu.memref_squeeze %dma_start3A_146 : memref<1x49920xf32, #tpu.memory_space<hbm>> -> memref<49920xf32, #tpu.memory_space<hbm>>
    %dma_start3A_148 = arith.constant 0 : i32
    %dma_start3A_149 = tpu.memref_slice %arg3[%mul3A_2, %dma_start3A_148] : memref<1024x100000xf32, #tpu.memory_space<hbm>> -> memref<1x49920xf32, #tpu.memory_space<hbm>>
    %dma_start3A_150 = tpu.memref_squeeze %dma_start3A_149 : memref<1x49920xf32, #tpu.memory_space<hbm>> -> memref<49920xf32, #tpu.memory_space<hbm>>
    %dma_start3A_151 = arith.constant 0 : i32
    %dma_start3A_152 = tpu.memref_slice %arg4[%dma_start3A_151] : memref<50080xf32, #tpu.memory_space<vmem>> -> memref<49920xf32, #tpu.memory_space<vmem>>
    tpu.enqueue_dma source(%dma_start3A_152 : memref<49920xf32, #tpu.memory_space<vmem>>) target(%dma_start3A_150 : memref<49920xf32, #tpu.memory_space<hbm>>) target_semaphore(%arg7 : memref<!tpu.dma_semaphore, #tpu.memory_space<semaphore_mem>>)
    %scan3A_153 = arith.constant 0 : i32
    %scan3A_154 = arith.constant 0 : i32
    %scan3A_155 = arith.constant 313 : i32
    %scan3A_156 = arith.addi %scan3A_154, %scan3A_155 : i32
    %scan3A_157 = arith.constant 1 : i32
    scf.for %scan3A_358 = %scan3A_154 to %scan3A_156 step %scan3A_157  : i32 {
      %mul3A_359 = arith.constant 160 : i32
      %mul3A_360 = arith.muli %scan3A_358, %mul3A_359 : i32
      %add3A_361 = arith.constant 0 : i32
      %add3A_362 = arith.addi %mul3A_360, %add3A_361 : i32
      %swap3A = arith.index_cast %add3A_362 : i32 to index
      %swap3A_363 = tpu.vector_load %arg5[%swap3A] {strides = array<i32>} : memref<50080xf32, #tpu.memory_space<vmem>>, vector<16xf32>,
      tpu.vector_store %arg5[%swap3A], %broadcast_in_dim3A_3 {strides = array<i32>} : memref<50080xf32, #tpu.memory_space<vmem>>, vector<16xf32>,
      %add3A_364 = arith.constant 16 : i32
      %add3A_365 = arith.addi %mul3A_360, %add3A_364 : i32
      %swap3A_366 = arith.index_cast %add3A_365 : i32 to index
      %swap3A_367 = tpu.vector_load %arg5[%swap3A_366] {strides = array<i32>} : memref<50080xf32, #tpu.memory_space<vmem>>, vector<16xf32>,
      tpu.vector_store %arg5[%swap3A_366], %broadcast_in_dim3A_3 {strides = array<i32>} : memref<50080xf32, #tpu.memory_space<vmem>>, vector<16xf32>,
      %add3A_368 = arith.constant 32 : i32
      %add3A_369 = arith.addi %mul3A_360, %add3A_368 : i32
      %swap3A_370 = arith.index_cast %add3A_369 : i32 to index
      %swap3A_371 = tpu.vector_load %arg5[%swap3A_370] {strides = array<i32>} : memref<50080xf32, #tpu.memory_space<vmem>>, vector<16xf32>,
      tpu.vector_store %arg5[%swap3A_370], %broadcast_in_dim3A_3 {strides = array<i32>} : memref<50080xf32, #tpu.memory_space<vmem>>, vector<16xf32>,
      %add3A_372 = arith.constant 48 : i32
      %add3A_373 = arith.addi %mul3A_360, %add3A_372 : i32
      %swap3A_374 = arith.index_cast %add3A_373 : i32 to index
      %swap3A_375 = tpu.vector_load %arg5[%swap3A_374] {strides = array<i32>} : memref<50080xf32, #tpu.memory_space<vmem>>, vector<16xf32>,
      tpu.vector_store %arg5[%swap3A_374], %broadcast_in_dim3A_3 {strides = array<i32>} : memref<50080xf32, #tpu.memory_space<vmem>>, vector<16xf32>,
      %add3A_376 = arith.constant 64 : i32
      %add3A_377 = arith.addi %mul3A_360, %add3A_376 : i32
      %swap3A_378 = arith.index_cast %add3A_377 : i32 to index
      %swap3A_379 = tpu.vector_load %arg5[%swap3A_378] {strides = array<i32>} : memref<50080xf32, #tpu.memory_space<vmem>>, vector<16xf32>,
      tpu.vector_store %arg5[%swap3A_378], %broadcast_in_dim3A_3 {strides = array<i32>} : memref<50080xf32, #tpu.memory_space<vmem>>, vector<16xf32>,
      %add3A_380 = arith.constant 80 : i32
      %add3A_381 = arith.addi %mul3A_360, %add3A_380 : i32
      %swap3A_382 = arith.index_cast %add3A_381 : i32 to index
      %swap3A_383 = tpu.vector_load %arg5[%swap3A_382] {strides = array<i32>} : memref<50080xf32, #tpu.memory_space<vmem>>, vector<16xf32>,
      tpu.vector_store %arg5[%swap3A_382], %broadcast_in_dim3A_3 {strides = array<i32>} : memref<50080xf32, #tpu.memory_space<vmem>>, vector<16xf32>,
      %add3A_384 = arith.constant 96 : i32
      %add3A_385 = arith.addi %mul3A_360, %add3A_384 : i32
      %swap3A_386 = arith.index_cast %add3A_385 : i32 to index
      %swap3A_387 = tpu.vector_load %arg5[%swap3A_386] {strides = array<i32>} : memref<50080xf32, #tpu.memory_space<vmem>>, vector<16xf32>,
      tpu.vector_store %arg5[%swap3A_386], %broadcast_in_dim3A_3 {strides = array<i32>} : memref<50080xf32, #tpu.memory_space<vmem>>, vector<16xf32>,
      %add3A_388 = arith.constant 112 : i32
      %add3A_389 = arith.addi %mul3A_360, %add3A_388 : i32
      %swap3A_390 = arith.index_cast %add3A_389 : i32 to index
      %swap3A_391 = tpu.vector_load %arg5[%swap3A_390] {strides = array<i32>} : memref<50080xf32, #tpu.memory_space<vmem>>, vector<16xf32>,
      tpu.vector_store %arg5[%swap3A_390], %broadcast_in_dim3A_3 {strides = array<i32>} : memref<50080xf32, #tpu.memory_space<vmem>>, vector<16xf32>,
      %add3A_392 = arith.constant 128 : i32
      %add3A_393 = arith.addi %mul3A_360, %add3A_392 : i32
      %swap3A_394 = arith.index_cast %add3A_393 : i32 to index
      %swap3A_395 = tpu.vector_load %arg5[%swap3A_394] {strides = array<i32>} : memref<50080xf32, #tpu.memory_space<vmem>>, vector<16xf32>,
      tpu.vector_store %arg5[%swap3A_394], %broadcast_in_dim3A_3 {strides = array<i32>} : memref<50080xf32, #tpu.memory_space<vmem>>, vector<16xf32>,
      %add3A_396 = arith.constant 144 : i32
      %add3A_397 = arith.addi %mul3A_360, %add3A_396 : i32
      %swap3A_398 = arith.index_cast %add3A_397 : i32 to index
      %swap3A_399 = tpu.vector_load %arg5[%swap3A_398] {strides = array<i32>} : memref<50080xf32, #tpu.memory_space<vmem>>, vector<16xf32>,
      tpu.vector_store %arg5[%swap3A_398], %broadcast_in_dim3A_3 {strides = array<i32>} : memref<50080xf32, #tpu.memory_space<vmem>>, vector<16xf32>,
    }
    %scan3A_158 = arith.constant 313 : i32
    %get3A_159 = arith.constant 0 : i32
    %get3A_160 = arith.index_cast %get3A_159 : i32 to index
    %get3A_161 = arith.constant 0 : index
    %get3A_162 = tpu.vector_load %arg6[%get3A_160, %get3A_161] {strides = array<i32>} : memref<32x200xi32, #tpu.memory_space<vmem>>, vector<16xi32>,
    %ge3A = arith.constant 49920 : i32
    %ge3A_163 = vector.broadcast %ge3A : i32 to vector<16xi32>
    %ge3A_164 = arith.cmpi sge, %get3A_162, %ge3A_163 : vector<16xi32>
    %sub3A = arith.constant 49920 : i32
    %sub3A_165 = vector.broadcast %sub3A : i32 to vector<16xi32>
    %sub3A_166 = arith.subi %get3A_162, %sub3A_165 : vector<16xi32>
    %jit3A_167 = arith.constant 0 : i32
    %broadcast_in_dim3A_168 = vector.broadcast %jit3A_167 : i32 to vector<16xi32>
    %select_n3A_169 = arith.select %ge3A_164, %sub3A_166, %broadcast_in_dim3A_168 : vector<16xi1>, vector<16xi32>
    tpu.vector_store_idx %arg5[%select_n3A_169], %broadcast_in_dim3A_5 masked %ge3A_164 : memref<50080xf32, #tpu.memory_space<vmem>>[vector<16xi32>], vector<16xf32>, vector<16xi1>
    %get3A_170 = arith.constant 0 : i32
    %get3A_171 = arith.index_cast %get3A_170 : i32 to index
    %get3A_172 = arith.constant 16 : index
    %get3A_173 = tpu.vector_load %arg6[%get3A_171, %get3A_172] {strides = array<i32>} : memref<32x200xi32, #tpu.memory_space<vmem>>, vector<16xi32>,
    %ge3A_174 = arith.constant 49920 : i32
    %ge3A_175 = vector.broadcast %ge3A_174 : i32 to vector<16xi32>
    %ge3A_176 = arith.cmpi sge, %get3A_173, %ge3A_175 : vector<16xi32>
    %sub3A_177 = arith.constant 49920 : i32
    %sub3A_178 = vector.broadcast %sub3A_177 : i32 to vector<16xi32>
    %sub3A_179 = arith.subi %get3A_173, %sub3A_178 : vector<16xi32>
    %jit3A_180 = arith.constant 0 : i32
    %broadcast_in_dim3A_181 = vector.broadcast %jit3A_180 : i32 to vector<16xi32>
    %select_n3A_182 = arith.select %ge3A_176, %sub3A_179, %broadcast_in_dim3A_181 : vector<16xi1>, vector<16xi32>
    tpu.vector_store_idx %arg5[%select_n3A_182], %broadcast_in_dim3A_5 masked %ge3A_176 : memref<50080xf32, #tpu.memory_space<vmem>>[vector<16xi32>], vector<16xf32>, vector<16xi1>
    %get3A_183 = arith.constant 0 : i32
    %get3A_184 = arith.index_cast %get3A_183 : i32 to index
    %get3A_185 = arith.constant 32 : index
    %get3A_186 = tpu.vector_load %arg6[%get3A_184, %get3A_185] {strides = array<i32>} : memref<32x200xi32, #tpu.memory_space<vmem>>, vector<16xi32>,
    %ge3A_187 = arith.constant 49920 : i32
    %ge3A_188 = vector.broadcast %ge3A_187 : i32 to vector<16xi32>
    %ge3A_189 = arith.cmpi sge, %get3A_186, %ge3A_188 : vector<16xi32>
    %sub3A_190 = arith.constant 49920 : i32
    %sub3A_191 = vector.broadcast %sub3A_190 : i32 to vector<16xi32>
    %sub3A_192 = arith.subi %get3A_186, %sub3A_191 : vector<16xi32>
    %jit3A_193 = arith.constant 0 : i32
    %broadcast_in_dim3A_194 = vector.broadcast %jit3A_193 : i32 to vector<16xi32>
    %select_n3A_195 = arith.select %ge3A_189, %sub3A_192, %broadcast_in_dim3A_194 : vector<16xi1>, vector<16xi32>
    tpu.vector_store_idx %arg5[%select_n3A_195], %broadcast_in_dim3A_5 masked %ge3A_189 : memref<50080xf32, #tpu.memory_space<vmem>>[vector<16xi32>], vector<16xf32>, vector<16xi1>
    %get3A_196 = arith.constant 0 : i32
    %get3A_197 = arith.index_cast %get3A_196 : i32 to index
    %get3A_198 = arith.constant 48 : index
    %get3A_199 = tpu.vector_load %arg6[%get3A_197, %get3A_198] {strides = array<i32>} : memref<32x200xi32, #tpu.memory_space<vmem>>, vector<16xi32>,
    %ge3A_200 = arith.constant 49920 : i32
    %ge3A_201 = vector.broadcast %ge3A_200 : i32 to vector<16xi32>
    %ge3A_202 = arith.cmpi sge, %get3A_199, %ge3A_201 : vector<16xi32>
    %sub3A_203 = arith.constant 49920 : i32
    %sub3A_204 = vector.broadcast %sub3A_203 : i32 to vector<16xi32>
    %sub3A_205 = arith.subi %get3A_199, %sub3A_204 : vector<16xi32>
    %jit3A_206 = arith.constant 0 : i32
    %broadcast_in_dim3A_207 = vector.broadcast %jit3A_206 : i32 to vector<16xi32>
    %select_n3A_208 = arith.select %ge3A_202, %sub3A_205, %broadcast_in_dim3A_207 : vector<16xi1>, vector<16xi32>
    tpu.vector_store_idx %arg5[%select_n3A_208], %broadcast_in_dim3A_5 masked %ge3A_202 : memref<50080xf32, #tpu.memory_space<vmem>>[vector<16xi32>], vector<16xf32>, vector<16xi1>
    %get3A_209 = arith.constant 0 : i32
    %get3A_210 = arith.index_cast %get3A_209 : i32 to index
    %get3A_211 = arith.constant 64 : index
    %get3A_212 = tpu.vector_load %arg6[%get3A_210, %get3A_211] {strides = array<i32>} : memref<32x200xi32, #tpu.memory_space<vmem>>, vector<16xi32>,
    %ge3A_213 = arith.constant 49920 : i32
    %ge3A_214 = vector.broadcast %ge3A_213 : i32 to vector<16xi32>
    %ge3A_215 = arith.cmpi sge, %get3A_212, %ge3A_214 : vector<16xi32>
    %sub3A_216 = arith.constant 49920 : i32
    %sub3A_217 = vector.broadcast %sub3A_216 : i32 to vector<16xi32>
    %sub3A_218 = arith.subi %get3A_212, %sub3A_217 : vector<16xi32>
    %jit3A_219 = arith.constant 0 : i32
    %broadcast_in_dim3A_220 = vector.broadcast %jit3A_219 : i32 to vector<16xi32>
    %select_n3A_221 = arith.select %ge3A_215, %sub3A_218, %broadcast_in_dim3A_220 : vector<16xi1>, vector<16xi32>
    tpu.vector_store_idx %arg5[%select_n3A_221], %broadcast_in_dim3A_5 masked %ge3A_215 : memref<50080xf32, #tpu.memory_space<vmem>>[vector<16xi32>], vector<16xf32>, vector<16xi1>
    %get3A_222 = arith.constant 0 : i32
    %get3A_223 = arith.index_cast %get3A_222 : i32 to index
    %get3A_224 = arith.constant 80 : index
    %get3A_225 = tpu.vector_load %arg6[%get3A_223, %get3A_224] {strides = array<i32>} : memref<32x200xi32, #tpu.memory_space<vmem>>, vector<16xi32>,
    %ge3A_226 = arith.constant 49920 : i32
    %ge3A_227 = vector.broadcast %ge3A_226 : i32 to vector<16xi32>
    %ge3A_228 = arith.cmpi sge, %get3A_225, %ge3A_227 : vector<16xi32>
    %sub3A_229 = arith.constant 49920 : i32
    %sub3A_230 = vector.broadcast %sub3A_229 : i32 to vector<16xi32>
    %sub3A_231 = arith.subi %get3A_225, %sub3A_230 : vector<16xi32>
    %jit3A_232 = arith.constant 0 : i32
    %broadcast_in_dim3A_233 = vector.broadcast %jit3A_232 : i32 to vector<16xi32>
    %select_n3A_234 = arith.select %ge3A_228, %sub3A_231, %broadcast_in_dim3A_233 : vector<16xi1>, vector<16xi32>
    tpu.vector_store_idx %arg5[%select_n3A_234], %broadcast_in_dim3A_5 masked %ge3A_228 : memref<50080xf32, #tpu.memory_space<vmem>>[vector<16xi32>], vector<16xf32>, vector<16xi1>
    %get3A_235 = arith.constant 0 : i32
    %get3A_236 = arith.index_cast %get3A_235 : i32 to index
    %get3A_237 = arith.constant 96 : index
    %get3A_238 = tpu.vector_load %arg6[%get3A_236, %get3A_237] {strides = array<i32>} : memref<32x200xi32, #tpu.memory_space<vmem>>, vector<16xi32>,
    %ge3A_239 = arith.constant 49920 : i32
    %ge3A_240 = vector.broadcast %ge3A_239 : i32 to vector<16xi32>
    %ge3A_241 = arith.cmpi sge, %get3A_238, %ge3A_240 : vector<16xi32>
    %sub3A_242 = arith.constant 49920 : i32
    %sub3A_243 = vector.broadcast %sub3A_242 : i32 to vector<16xi32>
    %sub3A_244 = arith.subi %get3A_238, %sub3A_243 : vector<16xi32>
    %jit3A_245 = arith.constant 0 : i32
    %broadcast_in_dim3A_246 = vector.broadcast %jit3A_245 : i32 to vector<16xi32>
    %select_n3A_247 = arith.select %ge3A_241, %sub3A_244, %broadcast_in_dim3A_246 : vector<16xi1>, vector<16xi32>
    tpu.vector_store_idx %arg5[%select_n3A_247], %broadcast_in_dim3A_5 masked %ge3A_241 : memref<50080xf32, #tpu.memory_space<vmem>>[vector<16xi32>], vector<16xf32>, vector<16xi1>
    %get3A_248 = arith.constant 0 : i32
    %get3A_249 = arith.index_cast %get3A_248 : i32 to index
    %get3A_250 = arith.constant 112 : index
    %get3A_251 = tpu.vector_load %arg6[%get3A_249, %get3A_250] {strides = array<i32>} : memref<32x200xi32, #tpu.memory_space<vmem>>, vector<16xi32>,
    %ge3A_252 = arith.constant 49920 : i32
    %ge3A_253 = vector.broadcast %ge3A_252 : i32 to vector<16xi32>
    %ge3A_254 = arith.cmpi sge, %get3A_251, %ge3A_253 : vector<16xi32>
    %sub3A_255 = arith.constant 49920 : i32
    %sub3A_256 = vector.broadcast %sub3A_255 : i32 to vector<16xi32>
    %sub3A_257 = arith.subi %get3A_251, %sub3A_256 : vector<16xi32>
    %jit3A_258 = arith.constant 0 : i32
    %broadcast_in_dim3A_259 = vector.broadcast %jit3A_258 : i32 to vector<16xi32>
    %select_n3A_260 = arith.select %ge3A_254, %sub3A_257, %broadcast_in_dim3A_259 : vector<16xi1>, vector<16xi32>
    tpu.vector_store_idx %arg5[%select_n3A_260], %broadcast_in_dim3A_5 masked %ge3A_254 : memref<50080xf32, #tpu.memory_space<vmem>>[vector<16xi32>], vector<16xf32>, vector<16xi1>
    %get3A_261 = arith.constant 0 : i32
    %get3A_262 = arith.index_cast %get3A_261 : i32 to index
    %get3A_263 = arith.constant 128 : index
    %get3A_264 = tpu.vector_load %arg6[%get3A_262, %get3A_263] {strides = array<i32>} : memref<32x200xi32, #tpu.memory_space<vmem>>, vector<16xi32>,
    %ge3A_265 = arith.constant 49920 : i32
    %ge3A_266 = vector.broadcast %ge3A_265 : i32 to vector<16xi32>
    %ge3A_267 = arith.cmpi sge, %get3A_264, %ge3A_266 : vector<16xi32>
    %sub3A_268 = arith.constant 49920 : i32
    %sub3A_269 = vector.broadcast %sub3A_268 : i32 to vector<16xi32>
    %sub3A_270 = arith.subi %get3A_264, %sub3A_269 : vector<16xi32>
    %jit3A_271 = arith.constant 0 : i32
    %broadcast_in_dim3A_272 = vector.broadcast %jit3A_271 : i32 to vector<16xi32>
    %select_n3A_273 = arith.select %ge3A_267, %sub3A_270, %broadcast_in_dim3A_272 : vector<16xi1>, vector<16xi32>
    tpu.vector_store_idx %arg5[%select_n3A_273], %broadcast_in_dim3A_5 masked %ge3A_267 : memref<50080xf32, #tpu.memory_space<vmem>>[vector<16xi32>], vector<16xf32>, vector<16xi1>
    %get3A_274 = arith.constant 0 : i32
    %get3A_275 = arith.index_cast %get3A_274 : i32 to index
    %get3A_276 = arith.constant 144 : index
    %get3A_277 = tpu.vector_load %arg6[%get3A_275, %get3A_276] {strides = array<i32>} : memref<32x200xi32, #tpu.memory_space<vmem>>, vector<16xi32>,
    %ge3A_278 = arith.constant 49920 : i32
    %ge3A_279 = vector.broadcast %ge3A_278 : i32 to vector<16xi32>
    %ge3A_280 = arith.cmpi sge, %get3A_277, %ge3A_279 : vector<16xi32>
    %sub3A_281 = arith.constant 49920 : i32
    %sub3A_282 = vector.broadcast %sub3A_281 : i32 to vector<16xi32>
    %sub3A_283 = arith.subi %get3A_277, %sub3A_282 : vector<16xi32>
    %jit3A_284 = arith.constant 0 : i32
    %broadcast_in_dim3A_285 = vector.broadcast %jit3A_284 : i32 to vector<16xi32>
    %select_n3A_286 = arith.select %ge3A_280, %sub3A_283, %broadcast_in_dim3A_285 : vector<16xi1>, vector<16xi32>
    tpu.vector_store_idx %arg5[%select_n3A_286], %broadcast_in_dim3A_5 masked %ge3A_280 : memref<50080xf32, #tpu.memory_space<vmem>>[vector<16xi32>], vector<16xf32>, vector<16xi1>
    %get3A_287 = arith.constant 0 : i32
    %get3A_288 = arith.index_cast %get3A_287 : i32 to index
    %get3A_289 = arith.constant 160 : index
    %get3A_290 = tpu.vector_load %arg6[%get3A_288, %get3A_289] {strides = array<i32>} : memref<32x200xi32, #tpu.memory_space<vmem>>, vector<16xi32>,
    %ge3A_291 = arith.constant 49920 : i32
    %ge3A_292 = vector.broadcast %ge3A_291 : i32 to vector<16xi32>
    %ge3A_293 = arith.cmpi sge, %get3A_290, %ge3A_292 : vector<16xi32>
    %sub3A_294 = arith.constant 49920 : i32
    %sub3A_295 = vector.broadcast %sub3A_294 : i32 to vector<16xi32>
    %sub3A_296 = arith.subi %get3A_290, %sub3A_295 : vector<16xi32>
    %jit3A_297 = arith.constant 0 : i32
    %broadcast_in_dim3A_298 = vector.broadcast %jit3A_297 : i32 to vector<16xi32>
    %select_n3A_299 = arith.select %ge3A_293, %sub3A_296, %broadcast_in_dim3A_298 : vector<16xi1>, vector<16xi32>
    tpu.vector_store_idx %arg5[%select_n3A_299], %broadcast_in_dim3A_5 masked %ge3A_293 : memref<50080xf32, #tpu.memory_space<vmem>>[vector<16xi32>], vector<16xf32>, vector<16xi1>
    %get3A_300 = arith.constant 0 : i32
    %get3A_301 = arith.index_cast %get3A_300 : i32 to index
    %get3A_302 = arith.constant 176 : index
    %get3A_303 = tpu.vector_load %arg6[%get3A_301, %get3A_302] {strides = array<i32>} : memref<32x200xi32, #tpu.memory_space<vmem>>, vector<16xi32>,
    %ge3A_304 = arith.constant 49920 : i32
    %ge3A_305 = vector.broadcast %ge3A_304 : i32 to vector<16xi32>
    %ge3A_306 = arith.cmpi sge, %get3A_303, %ge3A_305 : vector<16xi32>
    %sub3A_307 = arith.constant 49920 : i32
    %sub3A_308 = vector.broadcast %sub3A_307 : i32 to vector<16xi32>
    %sub3A_309 = arith.subi %get3A_303, %sub3A_308 : vector<16xi32>
    %jit3A_310 = arith.constant 0 : i32
    %broadcast_in_dim3A_311 = vector.broadcast %jit3A_310 : i32 to vector<16xi32>
    %select_n3A_312 = arith.select %ge3A_306, %sub3A_309, %broadcast_in_dim3A_311 : vector<16xi1>, vector<16xi32>
    tpu.vector_store_idx %arg5[%select_n3A_312], %broadcast_in_dim3A_5 masked %ge3A_306 : memref<50080xf32, #tpu.memory_space<vmem>>[vector<16xi32>], vector<16xf32>, vector<16xi1>
    %get3A_313 = arith.constant 0 : i32
    %get3A_314 = arith.index_cast %get3A_313 : i32 to index
    %get3A_315 = arith.constant 184 : index
    %get3A_316 = tpu.vector_load %arg6[%get3A_314, %get3A_315] {strides = array<i32>} : memref<32x200xi32, #tpu.memory_space<vmem>>, vector<16xi32>,
    %ge3A_317 = arith.constant 49920 : i32
    %ge3A_318 = vector.broadcast %ge3A_317 : i32 to vector<16xi32>
    %ge3A_319 = arith.cmpi sge, %get3A_316, %ge3A_318 : vector<16xi32>
    %sub3A_320 = arith.constant 49920 : i32
    %sub3A_321 = vector.broadcast %sub3A_320 : i32 to vector<16xi32>
    %sub3A_322 = arith.subi %get3A_316, %sub3A_321 : vector<16xi32>
    %jit3A_323 = arith.constant 0 : i32
    %broadcast_in_dim3A_324 = vector.broadcast %jit3A_323 : i32 to vector<16xi32>
    %select_n3A_325 = arith.select %ge3A_319, %sub3A_322, %broadcast_in_dim3A_324 : vector<16xi1>, vector<16xi32>
    tpu.vector_store_idx %arg5[%select_n3A_325], %broadcast_in_dim3A_5 masked %ge3A_319 : memref<50080xf32, #tpu.memory_space<vmem>>[vector<16xi32>], vector<16xf32>, vector<16xi1>
    %dma_start3A_326 = arith.constant 49920 : i32
    %dma_start3A_327 = tpu.memref_slice %arg3[%mul3A_2, %dma_start3A_326] : memref<1024x100000xf32, #tpu.memory_space<hbm>> -> memref<1x50080xf32, #tpu.memory_space<hbm>>
    %dma_start3A_328 = tpu.memref_squeeze %dma_start3A_327 : memref<1x50080xf32, #tpu.memory_space<hbm>> -> memref<50080xf32, #tpu.memory_space<hbm>>
    %dma_start3A_329 = arith.constant 49920 : i32
    %dma_start3A_330 = tpu.memref_slice %arg3[%mul3A_2, %dma_start3A_329] : memref<1024x100000xf32, #tpu.memory_space<hbm>> -> memref<1x50080xf32, #tpu.memory_space<hbm>>
    %dma_start3A_331 = tpu.memref_squeeze %dma_start3A_330 : memref<1x50080xf32, #tpu.memory_space<hbm>> -> memref<50080xf32, #tpu.memory_space<hbm>>
    tpu.enqueue_dma source(%arg5 : memref<50080xf32, #tpu.memory_space<vmem>>) target(%dma_start3A_331 : memref<50080xf32, #tpu.memory_space<hbm>>) target_semaphore(%arg8 : memref<!tpu.dma_semaphore, #tpu.memory_space<semaphore_mem>>)
    %scan3A_332 = arith.constant 0 : i32
    %scan3A_333 = arith.constant 1 : i32
    %scan3A_334 = arith.constant 31 : i32
    %scan3A_335 = arith.addi %scan3A_333, %scan3A_334 : i32
    %scan3A_336 = arith.constant 1 : i32
    scf.for %scan3A_358 = %scan3A_333 to %scan3A_335 step %scan3A_336  : i32 {
      %add3A_359 = arith.addi %mul3A_2, %scan3A_358 : i32
      %gt3A = arith.constant 0 : i32
      %gt3A_360 = arith.cmpi sgt, %scan3A_358, %gt3A : i32
      %convert_element_type3A = arith.extui %gt3A_360 : i1 to i32
      %cond3A = arith.constant 0 : i32
      %cond3A_361 = arith.cmpi ne, %convert_element_type3A, %cond3A : i32
      scf.if %cond3A_361 {
        %dma_wait3A_656 = arith.constant 0 : i32
        %dma_wait3A_657 = tpu.memref_slice %arg4[%dma_wait3A_656] : memref<50080xf32, #tpu.memory_space<vmem>> -> memref<49920xf32, #tpu.memory_space<vmem>>
        %dma_wait3A_658 = arith.constant 0 : i32
        %dma_wait3A_659 = tpu.memref_slice %arg3[%add3A_359, %dma_wait3A_658] : memref<1024x100000xf32, #tpu.memory_space<hbm>> -> memref<1x49920xf32, #tpu.memory_space<hbm>>
        %dma_wait3A_660 = tpu.memref_squeeze %dma_wait3A_659 : memref<1x49920xf32, #tpu.memory_space<hbm>> -> memref<49920xf32, #tpu.memory_space<hbm>>
        %dma_wait3A_661 = arith.constant 0 : i32
        %dma_wait3A_662 = tpu.memref_slice %arg3[%add3A_359, %dma_wait3A_661] : memref<1024x100000xf32, #tpu.memory_space<hbm>> -> memref<1x49920xf32, #tpu.memory_space<hbm>>
        %dma_wait3A_663 = tpu.memref_squeeze %dma_wait3A_662 : memref<1x49920xf32, #tpu.memory_space<hbm>> -> memref<49920xf32, #tpu.memory_space<hbm>>
        %dma_wait3A_664 = arith.constant 0 : i32
        %dma_wait3A_665 = tpu.memref_slice %arg4[%dma_wait3A_664] : memref<50080xf32, #tpu.memory_space<vmem>> -> memref<49920xf32, #tpu.memory_space<vmem>>
        tpu.wait_dma2 semaphore(%arg7 : memref<!tpu.dma_semaphore, #tpu.memory_space<semaphore_mem>>) src(%dma_wait3A_665 : memref<49920xf32, #tpu.memory_space<vmem>>) dst(%dma_wait3A_663 : memref<49920xf32, #tpu.memory_space<hbm>>)
        %sub3A_666 = arith.constant 1 : i32
        %sub3A_667 = arith.subi %scan3A_358, %sub3A_666 : i32
        %get3A_668 = arith.index_cast %sub3A_667 : i32 to index
        %get3A_669 = arith.constant 0 : index
        %get3A_670 = tpu.vector_load %arg6[%get3A_668, %get3A_669] {strides = array<i32>} : memref<32x200xi32, #tpu.memory_space<vmem>>, vector<16xi32>,
        %lt3A_671 = arith.constant 49920 : i32
        %lt3A_672 = vector.broadcast %lt3A_671 : i32 to vector<16xi32>
        %lt3A_673 = arith.cmpi slt, %get3A_670, %lt3A_672 : vector<16xi32>
        %jit3A_674 = arith.constant 0 : i32
        %broadcast_in_dim3A_675 = vector.broadcast %jit3A_674 : i32 to vector<16xi32>
        %select_n3A_676 = arith.select %lt3A_673, %get3A_670, %broadcast_in_dim3A_675 : vector<16xi1>, vector<16xi32>
        tpu.vector_store_idx %arg4[%select_n3A_676], %broadcast_in_dim3A_3 masked %lt3A_673 : memref<50080xf32, #tpu.memory_space<vmem>>[vector<16xi32>], vector<16xf32>, vector<16xi1>
        %get3A_677 = arith.index_cast %sub3A_667 : i32 to index
        %get3A_678 = arith.constant 16 : index
        %get3A_679 = tpu.vector_load %arg6[%get3A_677, %get3A_678] {strides = array<i32>} : memref<32x200xi32, #tpu.memory_space<vmem>>, vector<16xi32>,
        %lt3A_680 = arith.constant 49920 : i32
        %lt3A_681 = vector.broadcast %lt3A_680 : i32 to vector<16xi32>
        %lt3A_682 = arith.cmpi slt, %get3A_679, %lt3A_681 : vector<16xi32>
        %jit3A_683 = arith.constant 0 : i32
        %broadcast_in_dim3A_684 = vector.broadcast %jit3A_683 : i32 to vector<16xi32>
        %select_n3A_685 = arith.select %lt3A_682, %get3A_679, %broadcast_in_dim3A_684 : vector<16xi1>, vector<16xi32>
        tpu.vector_store_idx %arg4[%select_n3A_685], %broadcast_in_dim3A_3 masked %lt3A_682 : memref<50080xf32, #tpu.memory_space<vmem>>[vector<16xi32>], vector<16xf32>, vector<16xi1>
        %get3A_686 = arith.index_cast %sub3A_667 : i32 to index
        %get3A_687 = arith.constant 32 : index
        %get3A_688 = tpu.vector_load %arg6[%get3A_686, %get3A_687] {strides = array<i32>} : memref<32x200xi32, #tpu.memory_space<vmem>>, vector<16xi32>,
        %lt3A_689 = arith.constant 49920 : i32
        %lt3A_690 = vector.broadcast %lt3A_689 : i32 to vector<16xi32>
        %lt3A_691 = arith.cmpi slt, %get3A_688, %lt3A_690 : vector<16xi32>
        %jit3A_692 = arith.constant 0 : i32
        %broadcast_in_dim3A_693 = vector.broadcast %jit3A_692 : i32 to vector<16xi32>
        %select_n3A_694 = arith.select %lt3A_691, %get3A_688, %broadcast_in_dim3A_693 : vector<16xi1>, vector<16xi32>
        tpu.vector_store_idx %arg4[%select_n3A_694], %broadcast_in_dim3A_3 masked %lt3A_691 : memref<50080xf32, #tpu.memory_space<vmem>>[vector<16xi32>], vector<16xf32>, vector<16xi1>
        %get3A_695 = arith.index_cast %sub3A_667 : i32 to index
        %get3A_696 = arith.constant 48 : index
        %get3A_697 = tpu.vector_load %arg6[%get3A_695, %get3A_696] {strides = array<i32>} : memref<32x200xi32, #tpu.memory_space<vmem>>, vector<16xi32>,
        %lt3A_698 = arith.constant 49920 : i32
        %lt3A_699 = vector.broadcast %lt3A_698 : i32 to vector<16xi32>
        %lt3A_700 = arith.cmpi slt, %get3A_697, %lt3A_699 : vector<16xi32>
        %jit3A_701 = arith.constant 0 : i32
        %broadcast_in_dim3A_702 = vector.broadcast %jit3A_701 : i32 to vector<16xi32>
        %select_n3A_703 = arith.select %lt3A_700, %get3A_697, %broadcast_in_dim3A_702 : vector<16xi1>, vector<16xi32>
        tpu.vector_store_idx %arg4[%select_n3A_703], %broadcast_in_dim3A_3 masked %lt3A_700 : memref<50080xf32, #tpu.memory_space<vmem>>[vector<16xi32>], vector<16xf32>, vector<16xi1>
        %get3A_704 = arith.index_cast %sub3A_667 : i32 to index
        %get3A_705 = arith.constant 64 : index
        %get3A_706 = tpu.vector_load %arg6[%get3A_704, %get3A_705] {strides = array<i32>} : memref<32x200xi32, #tpu.memory_space<vmem>>, vector<16xi32>,
        %lt3A_707 = arith.constant 49920 : i32
        %lt3A_708 = vector.broadcast %lt3A_707 : i32 to vector<16xi32>
        %lt3A_709 = arith.cmpi slt, %get3A_706, %lt3A_708 : vector<16xi32>
        %jit3A_710 = arith.constant 0 : i32
        %broadcast_in_dim3A_711 = vector.broadcast %jit3A_710 : i32 to vector<16xi32>
        %select_n3A_712 = arith.select %lt3A_709, %get3A_706, %broadcast_in_dim3A_711 : vector<16xi1>, vector<16xi32>
        tpu.vector_store_idx %arg4[%select_n3A_712], %broadcast_in_dim3A_3 masked %lt3A_709 : memref<50080xf32, #tpu.memory_space<vmem>>[vector<16xi32>], vector<16xf32>, vector<16xi1>
        %get3A_713 = arith.index_cast %sub3A_667 : i32 to index
        %get3A_714 = arith.constant 80 : index
        %get3A_715 = tpu.vector_load %arg6[%get3A_713, %get3A_714] {strides = array<i32>} : memref<32x200xi32, #tpu.memory_space<vmem>>, vector<16xi32>,
        %lt3A_716 = arith.constant 49920 : i32
        %lt3A_717 = vector.broadcast %lt3A_716 : i32 to vector<16xi32>
        %lt3A_718 = arith.cmpi slt, %get3A_715, %lt3A_717 : vector<16xi32>
        %jit3A_719 = arith.constant 0 : i32
        %broadcast_in_dim3A_720 = vector.broadcast %jit3A_719 : i32 to vector<16xi32>
        %select_n3A_721 = arith.select %lt3A_718, %get3A_715, %broadcast_in_dim3A_720 : vector<16xi1>, vector<16xi32>
        tpu.vector_store_idx %arg4[%select_n3A_721], %broadcast_in_dim3A_3 masked %lt3A_718 : memref<50080xf32, #tpu.memory_space<vmem>>[vector<16xi32>], vector<16xf32>, vector<16xi1>
        %get3A_722 = arith.index_cast %sub3A_667 : i32 to index
        %get3A_723 = arith.constant 96 : index
        %get3A_724 = tpu.vector_load %arg6[%get3A_722, %get3A_723] {strides = array<i32>} : memref<32x200xi32, #tpu.memory_space<vmem>>, vector<16xi32>,
        %lt3A_725 = arith.constant 49920 : i32
        %lt3A_726 = vector.broadcast %lt3A_725 : i32 to vector<16xi32>
        %lt3A_727 = arith.cmpi slt, %get3A_724, %lt3A_726 : vector<16xi32>
        %jit3A_728 = arith.constant 0 : i32
        %broadcast_in_dim3A_729 = vector.broadcast %jit3A_728 : i32 to vector<16xi32>
        %select_n3A_730 = arith.select %lt3A_727, %get3A_724, %broadcast_in_dim3A_729 : vector<16xi1>, vector<16xi32>
        tpu.vector_store_idx %arg4[%select_n3A_730], %broadcast_in_dim3A_3 masked %lt3A_727 : memref<50080xf32, #tpu.memory_space<vmem>>[vector<16xi32>], vector<16xf32>, vector<16xi1>
        %get3A_731 = arith.index_cast %sub3A_667 : i32 to index
        %get3A_732 = arith.constant 112 : index
        %get3A_733 = tpu.vector_load %arg6[%get3A_731, %get3A_732] {strides = array<i32>} : memref<32x200xi32, #tpu.memory_space<vmem>>, vector<16xi32>,
        %lt3A_734 = arith.constant 49920 : i32
        %lt3A_735 = vector.broadcast %lt3A_734 : i32 to vector<16xi32>
        %lt3A_736 = arith.cmpi slt, %get3A_733, %lt3A_735 : vector<16xi32>
        %jit3A_737 = arith.constant 0 : i32
        %broadcast_in_dim3A_738 = vector.broadcast %jit3A_737 : i32 to vector<16xi32>
        %select_n3A_739 = arith.select %lt3A_736, %get3A_733, %broadcast_in_dim3A_738 : vector<16xi1>, vector<16xi32>
        tpu.vector_store_idx %arg4[%select_n3A_739], %broadcast_in_dim3A_3 masked %lt3A_736 : memref<50080xf32, #tpu.memory_space<vmem>>[vector<16xi32>], vector<16xf32>, vector<16xi1>
        %get3A_740 = arith.index_cast %sub3A_667 : i32 to index
        %get3A_741 = arith.constant 128 : index
        %get3A_742 = tpu.vector_load %arg6[%get3A_740, %get3A_741] {strides = array<i32>} : memref<32x200xi32, #tpu.memory_space<vmem>>, vector<16xi32>,
        %lt3A_743 = arith.constant 49920 : i32
        %lt3A_744 = vector.broadcast %lt3A_743 : i32 to vector<16xi32>
        %lt3A_745 = arith.cmpi slt, %get3A_742, %lt3A_744 : vector<16xi32>
        %jit3A_746 = arith.constant 0 : i32
        %broadcast_in_dim3A_747 = vector.broadcast %jit3A_746 : i32 to vector<16xi32>
        %select_n3A_748 = arith.select %lt3A_745, %get3A_742, %broadcast_in_dim3A_747 : vector<16xi1>, vector<16xi32>
        tpu.vector_store_idx %arg4[%select_n3A_748], %broadcast_in_dim3A_3 masked %lt3A_745 : memref<50080xf32, #tpu.memory_space<vmem>>[vector<16xi32>], vector<16xf32>, vector<16xi1>
        %get3A_749 = arith.index_cast %sub3A_667 : i32 to index
        %get3A_750 = arith.constant 144 : index
        %get3A_751 = tpu.vector_load %arg6[%get3A_749, %get3A_750] {strides = array<i32>} : memref<32x200xi32, #tpu.memory_space<vmem>>, vector<16xi32>,
        %lt3A_752 = arith.constant 49920 : i32
        %lt3A_753 = vector.broadcast %lt3A_752 : i32 to vector<16xi32>
        %lt3A_754 = arith.cmpi slt, %get3A_751, %lt3A_753 : vector<16xi32>
        %jit3A_755 = arith.constant 0 : i32
        %broadcast_in_dim3A_756 = vector.broadcast %jit3A_755 : i32 to vector<16xi32>
        %select_n3A_757 = arith.select %lt3A_754, %get3A_751, %broadcast_in_dim3A_756 : vector<16xi1>, vector<16xi32>
        tpu.vector_store_idx %arg4[%select_n3A_757], %broadcast_in_dim3A_3 masked %lt3A_754 : memref<50080xf32, #tpu.memory_space<vmem>>[vector<16xi32>], vector<16xf32>, vector<16xi1>
        %get3A_758 = arith.index_cast %sub3A_667 : i32 to index
        %get3A_759 = arith.constant 160 : index
        %get3A_760 = tpu.vector_load %arg6[%get3A_758, %get3A_759] {strides = array<i32>} : memref<32x200xi32, #tpu.memory_space<vmem>>, vector<16xi32>,
        %lt3A_761 = arith.constant 49920 : i32
        %lt3A_762 = vector.broadcast %lt3A_761 : i32 to vector<16xi32>
        %lt3A_763 = arith.cmpi slt, %get3A_760, %lt3A_762 : vector<16xi32>
        %jit3A_764 = arith.constant 0 : i32
        %broadcast_in_dim3A_765 = vector.broadcast %jit3A_764 : i32 to vector<16xi32>
        %select_n3A_766 = arith.select %lt3A_763, %get3A_760, %broadcast_in_dim3A_765 : vector<16xi1>, vector<16xi32>
        tpu.vector_store_idx %arg4[%select_n3A_766], %broadcast_in_dim3A_3 masked %lt3A_763 : memref<50080xf32, #tpu.memory_space<vmem>>[vector<16xi32>], vector<16xf32>, vector<16xi1>
        %get3A_767 = arith.index_cast %sub3A_667 : i32 to index
        %get3A_768 = arith.constant 176 : index
        %get3A_769 = tpu.vector_load %arg6[%get3A_767, %get3A_768] {strides = array<i32>} : memref<32x200xi32, #tpu.memory_space<vmem>>, vector<16xi32>,
        %lt3A_770 = arith.constant 49920 : i32
        %lt3A_771 = vector.broadcast %lt3A_770 : i32 to vector<16xi32>
        %lt3A_772 = arith.cmpi slt, %get3A_769, %lt3A_771 : vector<16xi32>
        %jit3A_773 = arith.constant 0 : i32
        %broadcast_in_dim3A_774 = vector.broadcast %jit3A_773 : i32 to vector<16xi32>
        %select_n3A_775 = arith.select %lt3A_772, %get3A_769, %broadcast_in_dim3A_774 : vector<16xi1>, vector<16xi32>
        tpu.vector_store_idx %arg4[%select_n3A_775], %broadcast_in_dim3A_3 masked %lt3A_772 : memref<50080xf32, #tpu.memory_space<vmem>>[vector<16xi32>], vector<16xf32>, vector<16xi1>
        %get3A_776 = arith.index_cast %sub3A_667 : i32 to index
        %get3A_777 = arith.constant 184 : index
        %get3A_778 = tpu.vector_load %arg6[%get3A_776, %get3A_777] {strides = array<i32>} : memref<32x200xi32, #tpu.memory_space<vmem>>, vector<16xi32>,
        %lt3A_779 = arith.constant 49920 : i32
        %lt3A_780 = vector.broadcast %lt3A_779 : i32 to vector<16xi32>
        %lt3A_781 = arith.cmpi slt, %get3A_778, %lt3A_780 : vector<16xi32>
        %jit3A_782 = arith.constant 0 : i32
        %broadcast_in_dim3A_783 = vector.broadcast %jit3A_782 : i32 to vector<16xi32>
        %select_n3A_784 = arith.select %lt3A_781, %get3A_778, %broadcast_in_dim3A_783 : vector<16xi1>, vector<16xi32>
        tpu.vector_store_idx %arg4[%select_n3A_784], %broadcast_in_dim3A_3 masked %lt3A_781 : memref<50080xf32, #tpu.memory_space<vmem>>[vector<16xi32>], vector<16xf32>, vector<16xi1>
      } else {
      }
      %get3A_362 = arith.index_cast %scan3A_358 : i32 to index
      %get3A_363 = arith.constant 0 : index
      %get3A_364 = tpu.vector_load %arg6[%get3A_362, %get3A_363] {strides = array<i32>} : memref<32x200xi32, #tpu.memory_space<vmem>>, vector<16xi32>,
      %lt3A_365 = arith.constant 49920 : i32
      %lt3A_366 = vector.broadcast %lt3A_365 : i32 to vector<16xi32>
      %lt3A_367 = arith.cmpi slt, %get3A_364, %lt3A_366 : vector<16xi32>
      %jit3A_368 = arith.constant 0 : i32
      %broadcast_in_dim3A_369 = vector.broadcast %jit3A_368 : i32 to vector<16xi32>
      %select_n3A_370 = arith.select %lt3A_367, %get3A_364, %broadcast_in_dim3A_369 : vector<16xi1>, vector<16xi32>
      tpu.vector_store_idx %arg4[%select_n3A_370], %broadcast_in_dim3A_5 masked %lt3A_367 : memref<50080xf32, #tpu.memory_space<vmem>>[vector<16xi32>], vector<16xf32>, vector<16xi1>
      %get3A_371 = arith.index_cast %scan3A_358 : i32 to index
      %get3A_372 = arith.constant 16 : index
      %get3A_373 = tpu.vector_load %arg6[%get3A_371, %get3A_372] {strides = array<i32>} : memref<32x200xi32, #tpu.memory_space<vmem>>, vector<16xi32>,
      %lt3A_374 = arith.constant 49920 : i32
      %lt3A_375 = vector.broadcast %lt3A_374 : i32 to vector<16xi32>
      %lt3A_376 = arith.cmpi slt, %get3A_373, %lt3A_375 : vector<16xi32>
      %jit3A_377 = arith.constant 0 : i32
      %broadcast_in_dim3A_378 = vector.broadcast %jit3A_377 : i32 to vector<16xi32>
      %select_n3A_379 = arith.select %lt3A_376, %get3A_373, %broadcast_in_dim3A_378 : vector<16xi1>, vector<16xi32>
      tpu.vector_store_idx %arg4[%select_n3A_379], %broadcast_in_dim3A_5 masked %lt3A_376 : memref<50080xf32, #tpu.memory_space<vmem>>[vector<16xi32>], vector<16xf32>, vector<16xi1>
      %get3A_380 = arith.index_cast %scan3A_358 : i32 to index
      %get3A_381 = arith.constant 32 : index
      %get3A_382 = tpu.vector_load %arg6[%get3A_380, %get3A_381] {strides = array<i32>} : memref<32x200xi32, #tpu.memory_space<vmem>>, vector<16xi32>,
      %lt3A_383 = arith.constant 49920 : i32
      %lt3A_384 = vector.broadcast %lt3A_383 : i32 to vector<16xi32>
      %lt3A_385 = arith.cmpi slt, %get3A_382, %lt3A_384 : vector<16xi32>
      %jit3A_386 = arith.constant 0 : i32
      %broadcast_in_dim3A_387 = vector.broadcast %jit3A_386 : i32 to vector<16xi32>
      %select_n3A_388 = arith.select %lt3A_385, %get3A_382, %broadcast_in_dim3A_387 : vector<16xi1>, vector<16xi32>
      tpu.vector_store_idx %arg4[%select_n3A_388], %broadcast_in_dim3A_5 masked %lt3A_385 : memref<50080xf32, #tpu.memory_space<vmem>>[vector<16xi32>], vector<16xf32>, vector<16xi1>
      %get3A_389 = arith.index_cast %scan3A_358 : i32 to index
      %get3A_390 = arith.constant 48 : index
      %get3A_391 = tpu.vector_load %arg6[%get3A_389, %get3A_390] {strides = array<i32>} : memref<32x200xi32, #tpu.memory_space<vmem>>, vector<16xi32>,
      %lt3A_392 = arith.constant 49920 : i32
      %lt3A_393 = vector.broadcast %lt3A_392 : i32 to vector<16xi32>
      %lt3A_394 = arith.cmpi slt, %get3A_391, %lt3A_393 : vector<16xi32>
      %jit3A_395 = arith.constant 0 : i32
      %broadcast_in_dim3A_396 = vector.broadcast %jit3A_395 : i32 to vector<16xi32>
      %select_n3A_397 = arith.select %lt3A_394, %get3A_391, %broadcast_in_dim3A_396 : vector<16xi1>, vector<16xi32>
      tpu.vector_store_idx %arg4[%select_n3A_397], %broadcast_in_dim3A_5 masked %lt3A_394 : memref<50080xf32, #tpu.memory_space<vmem>>[vector<16xi32>], vector<16xf32>, vector<16xi1>
      %get3A_398 = arith.index_cast %scan3A_358 : i32 to index
      %get3A_399 = arith.constant 64 : index
      %get3A_400 = tpu.vector_load %arg6[%get3A_398, %get3A_399] {strides = array<i32>} : memref<32x200xi32, #tpu.memory_space<vmem>>, vector<16xi32>,
      %lt3A_401 = arith.constant 49920 : i32
      %lt3A_402 = vector.broadcast %lt3A_401 : i32 to vector<16xi32>
      %lt3A_403 = arith.cmpi slt, %get3A_400, %lt3A_402 : vector<16xi32>
      %jit3A_404 = arith.constant 0 : i32
      %broadcast_in_dim3A_405 = vector.broadcast %jit3A_404 : i32 to vector<16xi32>
      %select_n3A_406 = arith.select %lt3A_403, %get3A_400, %broadcast_in_dim3A_405 : vector<16xi1>, vector<16xi32>
      tpu.vector_store_idx %arg4[%select_n3A_406], %broadcast_in_dim3A_5 masked %lt3A_403 : memref<50080xf32, #tpu.memory_space<vmem>>[vector<16xi32>], vector<16xf32>, vector<16xi1>
      %get3A_407 = arith.index_cast %scan3A_358 : i32 to index
      %get3A_408 = arith.constant 80 : index
      %get3A_409 = tpu.vector_load %arg6[%get3A_407, %get3A_408] {strides = array<i32>} : memref<32x200xi32, #tpu.memory_space<vmem>>, vector<16xi32>,
      %lt3A_410 = arith.constant 49920 : i32
      %lt3A_411 = vector.broadcast %lt3A_410 : i32 to vector<16xi32>
      %lt3A_412 = arith.cmpi slt, %get3A_409, %lt3A_411 : vector<16xi32>
      %jit3A_413 = arith.constant 0 : i32
      %broadcast_in_dim3A_414 = vector.broadcast %jit3A_413 : i32 to vector<16xi32>
      %select_n3A_415 = arith.select %lt3A_412, %get3A_409, %broadcast_in_dim3A_414 : vector<16xi1>, vector<16xi32>
      tpu.vector_store_idx %arg4[%select_n3A_415], %broadcast_in_dim3A_5 masked %lt3A_412 : memref<50080xf32, #tpu.memory_space<vmem>>[vector<16xi32>], vector<16xf32>, vector<16xi1>
      %get3A_416 = arith.index_cast %scan3A_358 : i32 to index
      %get3A_417 = arith.constant 96 : index
      %get3A_418 = tpu.vector_load %arg6[%get3A_416, %get3A_417] {strides = array<i32>} : memref<32x200xi32, #tpu.memory_space<vmem>>, vector<16xi32>,
      %lt3A_419 = arith.constant 49920 : i32
      %lt3A_420 = vector.broadcast %lt3A_419 : i32 to vector<16xi32>
      %lt3A_421 = arith.cmpi slt, %get3A_418, %lt3A_420 : vector<16xi32>
      %jit3A_422 = arith.constant 0 : i32
      %broadcast_in_dim3A_423 = vector.broadcast %jit3A_422 : i32 to vector<16xi32>
      %select_n3A_424 = arith.select %lt3A_421, %get3A_418, %broadcast_in_dim3A_423 : vector<16xi1>, vector<16xi32>
      tpu.vector_store_idx %arg4[%select_n3A_424], %broadcast_in_dim3A_5 masked %lt3A_421 : memref<50080xf32, #tpu.memory_space<vmem>>[vector<16xi32>], vector<16xf32>, vector<16xi1>
      %get3A_425 = arith.index_cast %scan3A_358 : i32 to index
      %get3A_426 = arith.constant 112 : index
      %get3A_427 = tpu.vector_load %arg6[%get3A_425, %get3A_426] {strides = array<i32>} : memref<32x200xi32, #tpu.memory_space<vmem>>, vector<16xi32>,
      %lt3A_428 = arith.constant 49920 : i32
      %lt3A_429 = vector.broadcast %lt3A_428 : i32 to vector<16xi32>
      %lt3A_430 = arith.cmpi slt, %get3A_427, %lt3A_429 : vector<16xi32>
      %jit3A_431 = arith.constant 0 : i32
      %broadcast_in_dim3A_432 = vector.broadcast %jit3A_431 : i32 to vector<16xi32>
      %select_n3A_433 = arith.select %lt3A_430, %get3A_427, %broadcast_in_dim3A_432 : vector<16xi1>, vector<16xi32>
      tpu.vector_store_idx %arg4[%select_n3A_433], %broadcast_in_dim3A_5 masked %lt3A_430 : memref<50080xf32, #tpu.memory_space<vmem>>[vector<16xi32>], vector<16xf32>, vector<16xi1>
      %get3A_434 = arith.index_cast %scan3A_358 : i32 to index
      %get3A_435 = arith.constant 128 : index
      %get3A_436 = tpu.vector_load %arg6[%get3A_434, %get3A_435] {strides = array<i32>} : memref<32x200xi32, #tpu.memory_space<vmem>>, vector<16xi32>,
      %lt3A_437 = arith.constant 49920 : i32
      %lt3A_438 = vector.broadcast %lt3A_437 : i32 to vector<16xi32>
      %lt3A_439 = arith.cmpi slt, %get3A_436, %lt3A_438 : vector<16xi32>
      %jit3A_440 = arith.constant 0 : i32
      %broadcast_in_dim3A_441 = vector.broadcast %jit3A_440 : i32 to vector<16xi32>
      %select_n3A_442 = arith.select %lt3A_439, %get3A_436, %broadcast_in_dim3A_441 : vector<16xi1>, vector<16xi32>
      tpu.vector_store_idx %arg4[%select_n3A_442], %broadcast_in_dim3A_5 masked %lt3A_439 : memref<50080xf32, #tpu.memory_space<vmem>>[vector<16xi32>], vector<16xf32>, vector<16xi1>
      %get3A_443 = arith.index_cast %scan3A_358 : i32 to index
      %get3A_444 = arith.constant 144 : index
      %get3A_445 = tpu.vector_load %arg6[%get3A_443, %get3A_444] {strides = array<i32>} : memref<32x200xi32, #tpu.memory_space<vmem>>, vector<16xi32>,
      %lt3A_446 = arith.constant 49920 : i32
      %lt3A_447 = vector.broadcast %lt3A_446 : i32 to vector<16xi32>
      %lt3A_448 = arith.cmpi slt, %get3A_445, %lt3A_447 : vector<16xi32>
      %jit3A_449 = arith.constant 0 : i32
      %broadcast_in_dim3A_450 = vector.broadcast %jit3A_449 : i32 to vector<16xi32>
      %select_n3A_451 = arith.select %lt3A_448, %get3A_445, %broadcast_in_dim3A_450 : vector<16xi1>, vector<16xi32>
      tpu.vector_store_idx %arg4[%select_n3A_451], %broadcast_in_dim3A_5 masked %lt3A_448 : memref<50080xf32, #tpu.memory_space<vmem>>[vector<16xi32>], vector<16xf32>, vector<16xi1>
      %get3A_452 = arith.index_cast %scan3A_358 : i32 to index
      %get3A_453 = arith.constant 160 : index
      %get3A_454 = tpu.vector_load %arg6[%get3A_452, %get3A_453] {strides = array<i32>} : memref<32x200xi32, #tpu.memory_space<vmem>>, vector<16xi32>,
      %lt3A_455 = arith.constant 49920 : i32
      %lt3A_456 = vector.broadcast %lt3A_455 : i32 to vector<16xi32>
      %lt3A_457 = arith.cmpi slt, %get3A_454, %lt3A_456 : vector<16xi32>
      %jit3A_458 = arith.constant 0 : i32
      %broadcast_in_dim3A_459 = vector.broadcast %jit3A_458 : i32 to vector<16xi32>
      %select_n3A_460 = arith.select %lt3A_457, %get3A_454, %broadcast_in_dim3A_459 : vector<16xi1>, vector<16xi32>
      tpu.vector_store_idx %arg4[%select_n3A_460], %broadcast_in_dim3A_5 masked %lt3A_457 : memref<50080xf32, #tpu.memory_space<vmem>>[vector<16xi32>], vector<16xf32>, vector<16xi1>
      %get3A_461 = arith.index_cast %scan3A_358 : i32 to index
      %get3A_462 = arith.constant 176 : index
      %get3A_463 = tpu.vector_load %arg6[%get3A_461, %get3A_462] {strides = array<i32>} : memref<32x200xi32, #tpu.memory_space<vmem>>, vector<16xi32>,
      %lt3A_464 = arith.constant 49920 : i32
      %lt3A_465 = vector.broadcast %lt3A_464 : i32 to vector<16xi32>
      %lt3A_466 = arith.cmpi slt, %get3A_463, %lt3A_465 : vector<16xi32>
      %jit3A_467 = arith.constant 0 : i32
      %broadcast_in_dim3A_468 = vector.broadcast %jit3A_467 : i32 to vector<16xi32>
      %select_n3A_469 = arith.select %lt3A_466, %get3A_463, %broadcast_in_dim3A_468 : vector<16xi1>, vector<16xi32>
      tpu.vector_store_idx %arg4[%select_n3A_469], %broadcast_in_dim3A_5 masked %lt3A_466 : memref<50080xf32, #tpu.memory_space<vmem>>[vector<16xi32>], vector<16xf32>, vector<16xi1>
      %get3A_470 = arith.index_cast %scan3A_358 : i32 to index
      %get3A_471 = arith.constant 184 : index
      %get3A_472 = tpu.vector_load %arg6[%get3A_470, %get3A_471] {strides = array<i32>} : memref<32x200xi32, #tpu.memory_space<vmem>>, vector<16xi32>,
      %lt3A_473 = arith.constant 49920 : i32
      %lt3A_474 = vector.broadcast %lt3A_473 : i32 to vector<16xi32>
      %lt3A_475 = arith.cmpi slt, %get3A_472, %lt3A_474 : vector<16xi32>
      %jit3A_476 = arith.constant 0 : i32
      %broadcast_in_dim3A_477 = vector.broadcast %jit3A_476 : i32 to vector<16xi32>
      %select_n3A_478 = arith.select %lt3A_475, %get3A_472, %broadcast_in_dim3A_477 : vector<16xi1>, vector<16xi32>
      tpu.vector_store_idx %arg4[%select_n3A_478], %broadcast_in_dim3A_5 masked %lt3A_475 : memref<50080xf32, #tpu.memory_space<vmem>>[vector<16xi32>], vector<16xf32>, vector<16xi1>
      %dma_start3A_479 = arith.constant 0 : i32
      %dma_start3A_480 = tpu.memref_slice %arg4[%dma_start3A_479] : memref<50080xf32, #tpu.memory_space<vmem>> -> memref<49920xf32, #tpu.memory_space<vmem>>
      %dma_start3A_481 = arith.constant 0 : i32
      %dma_start3A_482 = tpu.memref_slice %arg3[%add3A_359, %dma_start3A_481] : memref<1024x100000xf32, #tpu.memory_space<hbm>> -> memref<1x49920xf32, #tpu.memory_space<hbm>>
      %dma_start3A_483 = tpu.memref_squeeze %dma_start3A_482 : memref<1x49920xf32, #tpu.memory_space<hbm>> -> memref<49920xf32, #tpu.memory_space<hbm>>
      %dma_start3A_484 = arith.constant 0 : i32
      %dma_start3A_485 = tpu.memref_slice %arg3[%add3A_359, %dma_start3A_484] : memref<1024x100000xf32, #tpu.memory_space<hbm>> -> memref<1x49920xf32, #tpu.memory_space<hbm>>
      %dma_start3A_486 = tpu.memref_squeeze %dma_start3A_485 : memref<1x49920xf32, #tpu.memory_space<hbm>> -> memref<49920xf32, #tpu.memory_space<hbm>>
      %dma_start3A_487 = arith.constant 0 : i32
      %dma_start3A_488 = tpu.memref_slice %arg4[%dma_start3A_487] : memref<50080xf32, #tpu.memory_space<vmem>> -> memref<49920xf32, #tpu.memory_space<vmem>>
      tpu.enqueue_dma source(%dma_start3A_488 : memref<49920xf32, #tpu.memory_space<vmem>>) target(%dma_start3A_486 : memref<49920xf32, #tpu.memory_space<hbm>>) target_semaphore(%arg7 : memref<!tpu.dma_semaphore, #tpu.memory_space<semaphore_mem>>)
      %gt3A_489 = arith.constant 0 : i32
      %gt3A_490 = arith.cmpi sgt, %scan3A_358, %gt3A_489 : i32
      %convert_element_type3A_491 = arith.extui %gt3A_490 : i1 to i32
      %cond3A_492 = arith.constant 0 : i32
      %cond3A_493 = arith.cmpi ne, %convert_element_type3A_491, %cond3A_492 : i32
      scf.if %cond3A_493 {
        %dma_wait3A_656 = arith.constant 49920 : i32
        %dma_wait3A_657 = tpu.memref_slice %arg3[%add3A_359, %dma_wait3A_656] : memref<1024x100000xf32, #tpu.memory_space<hbm>> -> memref<1x50080xf32, #tpu.memory_space<hbm>>
        %dma_wait3A_658 = tpu.memref_squeeze %dma_wait3A_657 : memref<1x50080xf32, #tpu.memory_space<hbm>> -> memref<50080xf32, #tpu.memory_space<hbm>>
        %dma_wait3A_659 = arith.constant 49920 : i32
        %dma_wait3A_660 = tpu.memref_slice %arg3[%add3A_359, %dma_wait3A_659] : memref<1024x100000xf32, #tpu.memory_space<hbm>> -> memref<1x50080xf32, #tpu.memory_space<hbm>>
        %dma_wait3A_661 = tpu.memref_squeeze %dma_wait3A_660 : memref<1x50080xf32, #tpu.memory_space<hbm>> -> memref<50080xf32, #tpu.memory_space<hbm>>
        tpu.wait_dma2 semaphore(%arg8 : memref<!tpu.dma_semaphore, #tpu.memory_space<semaphore_mem>>) src(%arg5 : memref<50080xf32, #tpu.memory_space<vmem>>) dst(%dma_wait3A_661 : memref<50080xf32, #tpu.memory_space<hbm>>)
        %sub3A_662 = arith.constant 1 : i32
        %sub3A_663 = arith.subi %scan3A_358, %sub3A_662 : i32
        %get3A_664 = arith.index_cast %sub3A_663 : i32 to index
        %get3A_665 = arith.constant 0 : index
        %get3A_666 = tpu.vector_load %arg6[%get3A_664, %get3A_665] {strides = array<i32>} : memref<32x200xi32, #tpu.memory_space<vmem>>, vector<16xi32>,
        %ge3A_667 = arith.constant 49920 : i32
        %ge3A_668 = vector.broadcast %ge3A_667 : i32 to vector<16xi32>
        %ge3A_669 = arith.cmpi sge, %get3A_666, %ge3A_668 : vector<16xi32>
        %sub3A_670 = arith.constant 49920 : i32
        %sub3A_671 = vector.broadcast %sub3A_670 : i32 to vector<16xi32>
        %sub3A_672 = arith.subi %get3A_666, %sub3A_671 : vector<16xi32>
        %jit3A_673 = arith.constant 0 : i32
        %broadcast_in_dim3A_674 = vector.broadcast %jit3A_673 : i32 to vector<16xi32>
        %select_n3A_675 = arith.select %ge3A_669, %sub3A_672, %broadcast_in_dim3A_674 : vector<16xi1>, vector<16xi32>
        tpu.vector_store_idx %arg5[%select_n3A_675], %broadcast_in_dim3A_3 masked %ge3A_669 : memref<50080xf32, #tpu.memory_space<vmem>>[vector<16xi32>], vector<16xf32>, vector<16xi1>
        %get3A_676 = arith.index_cast %sub3A_663 : i32 to index
        %get3A_677 = arith.constant 16 : index
        %get3A_678 = tpu.vector_load %arg6[%get3A_676, %get3A_677] {strides = array<i32>} : memref<32x200xi32, #tpu.memory_space<vmem>>, vector<16xi32>,
        %ge3A_679 = arith.constant 49920 : i32
        %ge3A_680 = vector.broadcast %ge3A_679 : i32 to vector<16xi32>
        %ge3A_681 = arith.cmpi sge, %get3A_678, %ge3A_680 : vector<16xi32>
        %sub3A_682 = arith.constant 49920 : i32
        %sub3A_683 = vector.broadcast %sub3A_682 : i32 to vector<16xi32>
        %sub3A_684 = arith.subi %get3A_678, %sub3A_683 : vector<16xi32>
        %jit3A_685 = arith.constant 0 : i32
        %broadcast_in_dim3A_686 = vector.broadcast %jit3A_685 : i32 to vector<16xi32>
        %select_n3A_687 = arith.select %ge3A_681, %sub3A_684, %broadcast_in_dim3A_686 : vector<16xi1>, vector<16xi32>
        tpu.vector_store_idx %arg5[%select_n3A_687], %broadcast_in_dim3A_3 masked %ge3A_681 : memref<50080xf32, #tpu.memory_space<vmem>>[vector<16xi32>], vector<16xf32>, vector<16xi1>
        %get3A_688 = arith.index_cast %sub3A_663 : i32 to index
        %get3A_689 = arith.constant 32 : index
        %get3A_690 = tpu.vector_load %arg6[%get3A_688, %get3A_689] {strides = array<i32>} : memref<32x200xi32, #tpu.memory_space<vmem>>, vector<16xi32>,
        %ge3A_691 = arith.constant 49920 : i32
        %ge3A_692 = vector.broadcast %ge3A_691 : i32 to vector<16xi32>
        %ge3A_693 = arith.cmpi sge, %get3A_690, %ge3A_692 : vector<16xi32>
        %sub3A_694 = arith.constant 49920 : i32
        %sub3A_695 = vector.broadcast %sub3A_694 : i32 to vector<16xi32>
        %sub3A_696 = arith.subi %get3A_690, %sub3A_695 : vector<16xi32>
        %jit3A_697 = arith.constant 0 : i32
        %broadcast_in_dim3A_698 = vector.broadcast %jit3A_697 : i32 to vector<16xi32>
        %select_n3A_699 = arith.select %ge3A_693, %sub3A_696, %broadcast_in_dim3A_698 : vector<16xi1>, vector<16xi32>
        tpu.vector_store_idx %arg5[%select_n3A_699], %broadcast_in_dim3A_3 masked %ge3A_693 : memref<50080xf32, #tpu.memory_space<vmem>>[vector<16xi32>], vector<16xf32>, vector<16xi1>
        %get3A_700 = arith.index_cast %sub3A_663 : i32 to index
        %get3A_701 = arith.constant 48 : index
        %get3A_702 = tpu.vector_load %arg6[%get3A_700, %get3A_701] {strides = array<i32>} : memref<32x200xi32, #tpu.memory_space<vmem>>, vector<16xi32>,
        %ge3A_703 = arith.constant 49920 : i32
        %ge3A_704 = vector.broadcast %ge3A_703 : i32 to vector<16xi32>
        %ge3A_705 = arith.cmpi sge, %get3A_702, %ge3A_704 : vector<16xi32>
        %sub3A_706 = arith.constant 49920 : i32
        %sub3A_707 = vector.broadcast %sub3A_706 : i32 to vector<16xi32>
        %sub3A_708 = arith.subi %get3A_702, %sub3A_707 : vector<16xi32>
        %jit3A_709 = arith.constant 0 : i32
        %broadcast_in_dim3A_710 = vector.broadcast %jit3A_709 : i32 to vector<16xi32>
        %select_n3A_711 = arith.select %ge3A_705, %sub3A_708, %broadcast_in_dim3A_710 : vector<16xi1>, vector<16xi32>
        tpu.vector_store_idx %arg5[%select_n3A_711], %broadcast_in_dim3A_3 masked %ge3A_705 : memref<50080xf32, #tpu.memory_space<vmem>>[vector<16xi32>], vector<16xf32>, vector<16xi1>
        %get3A_712 = arith.index_cast %sub3A_663 : i32 to index
        %get3A_713 = arith.constant 64 : index
        %get3A_714 = tpu.vector_load %arg6[%get3A_712, %get3A_713] {strides = array<i32>} : memref<32x200xi32, #tpu.memory_space<vmem>>, vector<16xi32>,
        %ge3A_715 = arith.constant 49920 : i32
        %ge3A_716 = vector.broadcast %ge3A_715 : i32 to vector<16xi32>
        %ge3A_717 = arith.cmpi sge, %get3A_714, %ge3A_716 : vector<16xi32>
        %sub3A_718 = arith.constant 49920 : i32
        %sub3A_719 = vector.broadcast %sub3A_718 : i32 to vector<16xi32>
        %sub3A_720 = arith.subi %get3A_714, %sub3A_719 : vector<16xi32>
        %jit3A_721 = arith.constant 0 : i32
        %broadcast_in_dim3A_722 = vector.broadcast %jit3A_721 : i32 to vector<16xi32>
        %select_n3A_723 = arith.select %ge3A_717, %sub3A_720, %broadcast_in_dim3A_722 : vector<16xi1>, vector<16xi32>
        tpu.vector_store_idx %arg5[%select_n3A_723], %broadcast_in_dim3A_3 masked %ge3A_717 : memref<50080xf32, #tpu.memory_space<vmem>>[vector<16xi32>], vector<16xf32>, vector<16xi1>
        %get3A_724 = arith.index_cast %sub3A_663 : i32 to index
        %get3A_725 = arith.constant 80 : index
        %get3A_726 = tpu.vector_load %arg6[%get3A_724, %get3A_725] {strides = array<i32>} : memref<32x200xi32, #tpu.memory_space<vmem>>, vector<16xi32>,
        %ge3A_727 = arith.constant 49920 : i32
        %ge3A_728 = vector.broadcast %ge3A_727 : i32 to vector<16xi32>
        %ge3A_729 = arith.cmpi sge, %get3A_726, %ge3A_728 : vector<16xi32>
        %sub3A_730 = arith.constant 49920 : i32
        %sub3A_731 = vector.broadcast %sub3A_730 : i32 to vector<16xi32>
        %sub3A_732 = arith.subi %get3A_726, %sub3A_731 : vector<16xi32>
        %jit3A_733 = arith.constant 0 : i32
        %broadcast_in_dim3A_734 = vector.broadcast %jit3A_733 : i32 to vector<16xi32>
        %select_n3A_735 = arith.select %ge3A_729, %sub3A_732, %broadcast_in_dim3A_734 : vector<16xi1>, vector<16xi32>
        tpu.vector_store_idx %arg5[%select_n3A_735], %broadcast_in_dim3A_3 masked %ge3A_729 : memref<50080xf32, #tpu.memory_space<vmem>>[vector<16xi32>], vector<16xf32>, vector<16xi1>
        %get3A_736 = arith.index_cast %sub3A_663 : i32 to index
        %get3A_737 = arith.constant 96 : index
        %get3A_738 = tpu.vector_load %arg6[%get3A_736, %get3A_737] {strides = array<i32>} : memref<32x200xi32, #tpu.memory_space<vmem>>, vector<16xi32>,
        %ge3A_739 = arith.constant 49920 : i32
        %ge3A_740 = vector.broadcast %ge3A_739 : i32 to vector<16xi32>
        %ge3A_741 = arith.cmpi sge, %get3A_738, %ge3A_740 : vector<16xi32>
        %sub3A_742 = arith.constant 49920 : i32
        %sub3A_743 = vector.broadcast %sub3A_742 : i32 to vector<16xi32>
        %sub3A_744 = arith.subi %get3A_738, %sub3A_743 : vector<16xi32>
        %jit3A_745 = arith.constant 0 : i32
        %broadcast_in_dim3A_746 = vector.broadcast %jit3A_745 : i32 to vector<16xi32>
        %select_n3A_747 = arith.select %ge3A_741, %sub3A_744, %broadcast_in_dim3A_746 : vector<16xi1>, vector<16xi32>
        tpu.vector_store_idx %arg5[%select_n3A_747], %broadcast_in_dim3A_3 masked %ge3A_741 : memref<50080xf32, #tpu.memory_space<vmem>>[vector<16xi32>], vector<16xf32>, vector<16xi1>
        %get3A_748 = arith.index_cast %sub3A_663 : i32 to index
        %get3A_749 = arith.constant 112 : index
        %get3A_750 = tpu.vector_load %arg6[%get3A_748, %get3A_749] {strides = array<i32>} : memref<32x200xi32, #tpu.memory_space<vmem>>, vector<16xi32>,
        %ge3A_751 = arith.constant 49920 : i32
        %ge3A_752 = vector.broadcast %ge3A_751 : i32 to vector<16xi32>
        %ge3A_753 = arith.cmpi sge, %get3A_750, %ge3A_752 : vector<16xi32>
        %sub3A_754 = arith.constant 49920 : i32
        %sub3A_755 = vector.broadcast %sub3A_754 : i32 to vector<16xi32>
        %sub3A_756 = arith.subi %get3A_750, %sub3A_755 : vector<16xi32>
        %jit3A_757 = arith.constant 0 : i32
        %broadcast_in_dim3A_758 = vector.broadcast %jit3A_757 : i32 to vector<16xi32>
        %select_n3A_759 = arith.select %ge3A_753, %sub3A_756, %broadcast_in_dim3A_758 : vector<16xi1>, vector<16xi32>
        tpu.vector_store_idx %arg5[%select_n3A_759], %broadcast_in_dim3A_3 masked %ge3A_753 : memref<50080xf32, #tpu.memory_space<vmem>>[vector<16xi32>], vector<16xf32>, vector<16xi1>
        %get3A_760 = arith.index_cast %sub3A_663 : i32 to index
        %get3A_761 = arith.constant 128 : index
        %get3A_762 = tpu.vector_load %arg6[%get3A_760, %get3A_761] {strides = array<i32>} : memref<32x200xi32, #tpu.memory_space<vmem>>, vector<16xi32>,
        %ge3A_763 = arith.constant 49920 : i32
        %ge3A_764 = vector.broadcast %ge3A_763 : i32 to vector<16xi32>
        %ge3A_765 = arith.cmpi sge, %get3A_762, %ge3A_764 : vector<16xi32>
        %sub3A_766 = arith.constant 49920 : i32
        %sub3A_767 = vector.broadcast %sub3A_766 : i32 to vector<16xi32>
        %sub3A_768 = arith.subi %get3A_762, %sub3A_767 : vector<16xi32>
        %jit3A_769 = arith.constant 0 : i32
        %broadcast_in_dim3A_770 = vector.broadcast %jit3A_769 : i32 to vector<16xi32>
        %select_n3A_771 = arith.select %ge3A_765, %sub3A_768, %broadcast_in_dim3A_770 : vector<16xi1>, vector<16xi32>
        tpu.vector_store_idx %arg5[%select_n3A_771], %broadcast_in_dim3A_3 masked %ge3A_765 : memref<50080xf32, #tpu.memory_space<vmem>>[vector<16xi32>], vector<16xf32>, vector<16xi1>
        %get3A_772 = arith.index_cast %sub3A_663 : i32 to index
        %get3A_773 = arith.constant 144 : index
        %get3A_774 = tpu.vector_load %arg6[%get3A_772, %get3A_773] {strides = array<i32>} : memref<32x200xi32, #tpu.memory_space<vmem>>, vector<16xi32>,
        %ge3A_775 = arith.constant 49920 : i32
        %ge3A_776 = vector.broadcast %ge3A_775 : i32 to vector<16xi32>
        %ge3A_777 = arith.cmpi sge, %get3A_774, %ge3A_776 : vector<16xi32>
        %sub3A_778 = arith.constant 49920 : i32
        %sub3A_779 = vector.broadcast %sub3A_778 : i32 to vector<16xi32>
        %sub3A_780 = arith.subi %get3A_774, %sub3A_779 : vector<16xi32>
        %jit3A_781 = arith.constant 0 : i32
        %broadcast_in_dim3A_782 = vector.broadcast %jit3A_781 : i32 to vector<16xi32>
        %select_n3A_783 = arith.select %ge3A_777, %sub3A_780, %broadcast_in_dim3A_782 : vector<16xi1>, vector<16xi32>
        tpu.vector_store_idx %arg5[%select_n3A_783], %broadcast_in_dim3A_3 masked %ge3A_777 : memref<50080xf32, #tpu.memory_space<vmem>>[vector<16xi32>], vector<16xf32>, vector<16xi1>
        %get3A_784 = arith.index_cast %sub3A_663 : i32 to index
        %get3A_785 = arith.constant 160 : index
        %get3A_786 = tpu.vector_load %arg6[%get3A_784, %get3A_785] {strides = array<i32>} : memref<32x200xi32, #tpu.memory_space<vmem>>, vector<16xi32>,
        %ge3A_787 = arith.constant 49920 : i32
        %ge3A_788 = vector.broadcast %ge3A_787 : i32 to vector<16xi32>
        %ge3A_789 = arith.cmpi sge, %get3A_786, %ge3A_788 : vector<16xi32>
        %sub3A_790 = arith.constant 49920 : i32
        %sub3A_791 = vector.broadcast %sub3A_790 : i32 to vector<16xi32>
        %sub3A_792 = arith.subi %get3A_786, %sub3A_791 : vector<16xi32>
        %jit3A_793 = arith.constant 0 : i32
        %broadcast_in_dim3A_794 = vector.broadcast %jit3A_793 : i32 to vector<16xi32>
        %select_n3A_795 = arith.select %ge3A_789, %sub3A_792, %broadcast_in_dim3A_794 : vector<16xi1>, vector<16xi32>
        tpu.vector_store_idx %arg5[%select_n3A_795], %broadcast_in_dim3A_3 masked %ge3A_789 : memref<50080xf32, #tpu.memory_space<vmem>>[vector<16xi32>], vector<16xf32>, vector<16xi1>
        %get3A_796 = arith.index_cast %sub3A_663 : i32 to index
        %get3A_797 = arith.constant 176 : index
        %get3A_798 = tpu.vector_load %arg6[%get3A_796, %get3A_797] {strides = array<i32>} : memref<32x200xi32, #tpu.memory_space<vmem>>, vector<16xi32>,
        %ge3A_799 = arith.constant 49920 : i32
        %ge3A_800 = vector.broadcast %ge3A_799 : i32 to vector<16xi32>
        %ge3A_801 = arith.cmpi sge, %get3A_798, %ge3A_800 : vector<16xi32>
        %sub3A_802 = arith.constant 49920 : i32
        %sub3A_803 = vector.broadcast %sub3A_802 : i32 to vector<16xi32>
        %sub3A_804 = arith.subi %get3A_798, %sub3A_803 : vector<16xi32>
        %jit3A_805 = arith.constant 0 : i32
        %broadcast_in_dim3A_806 = vector.broadcast %jit3A_805 : i32 to vector<16xi32>
        %select_n3A_807 = arith.select %ge3A_801, %sub3A_804, %broadcast_in_dim3A_806 : vector<16xi1>, vector<16xi32>
        tpu.vector_store_idx %arg5[%select_n3A_807], %broadcast_in_dim3A_3 masked %ge3A_801 : memref<50080xf32, #tpu.memory_space<vmem>>[vector<16xi32>], vector<16xf32>, vector<16xi1>
        %get3A_808 = arith.index_cast %sub3A_663 : i32 to index
        %get3A_809 = arith.constant 184 : index
        %get3A_810 = tpu.vector_load %arg6[%get3A_808, %get3A_809] {strides = array<i32>} : memref<32x200xi32, #tpu.memory_space<vmem>>, vector<16xi32>,
        %ge3A_811 = arith.constant 49920 : i32
        %ge3A_812 = vector.broadcast %ge3A_811 : i32 to vector<16xi32>
        %ge3A_813 = arith.cmpi sge, %get3A_810, %ge3A_812 : vector<16xi32>
        %sub3A_814 = arith.constant 49920 : i32
        %sub3A_815 = vector.broadcast %sub3A_814 : i32 to vector<16xi32>
        %sub3A_816 = arith.subi %get3A_810, %sub3A_815 : vector<16xi32>
        %jit3A_817 = arith.constant 0 : i32
        %broadcast_in_dim3A_818 = vector.broadcast %jit3A_817 : i32 to vector<16xi32>
        %select_n3A_819 = arith.select %ge3A_813, %sub3A_816, %broadcast_in_dim3A_818 : vector<16xi1>, vector<16xi32>
        tpu.vector_store_idx %arg5[%select_n3A_819], %broadcast_in_dim3A_3 masked %ge3A_813 : memref<50080xf32, #tpu.memory_space<vmem>>[vector<16xi32>], vector<16xf32>, vector<16xi1>
      } else {
      }
      %get3A_494 = arith.index_cast %scan3A_358 : i32 to index
      %get3A_495 = arith.constant 0 : index
      %get3A_496 = tpu.vector_load %arg6[%get3A_494, %get3A_495] {strides = array<i32>} : memref<32x200xi32, #tpu.memory_space<vmem>>, vector<16xi32>,
      %ge3A_497 = arith.constant 49920 : i32
      %ge3A_498 = vector.broadcast %ge3A_497 : i32 to vector<16xi32>
      %ge3A_499 = arith.cmpi sge, %get3A_496, %ge3A_498 : vector<16xi32>
      %sub3A_500 = arith.constant 49920 : i32
      %sub3A_501 = vector.broadcast %sub3A_500 : i32 to vector<16xi32>
      %sub3A_502 = arith.subi %get3A_496, %sub3A_501 : vector<16xi32>
      %jit3A_503 = arith.constant 0 : i32
      %broadcast_in_dim3A_504 = vector.broadcast %jit3A_503 : i32 to vector<16xi32>
      %select_n3A_505 = arith.select %ge3A_499, %sub3A_502, %broadcast_in_dim3A_504 : vector<16xi1>, vector<16xi32>
      tpu.vector_store_idx %arg5[%select_n3A_505], %broadcast_in_dim3A_5 masked %ge3A_499 : memref<50080xf32, #tpu.memory_space<vmem>>[vector<16xi32>], vector<16xf32>, vector<16xi1>
      %get3A_506 = arith.index_cast %scan3A_358 : i32 to index
      %get3A_507 = arith.constant 16 : index
      %get3A_508 = tpu.vector_load %arg6[%get3A_506, %get3A_507] {strides = array<i32>} : memref<32x200xi32, #tpu.memory_space<vmem>>, vector<16xi32>,
      %ge3A_509 = arith.constant 49920 : i32
      %ge3A_510 = vector.broadcast %ge3A_509 : i32 to vector<16xi32>
      %ge3A_511 = arith.cmpi sge, %get3A_508, %ge3A_510 : vector<16xi32>
      %sub3A_512 = arith.constant 49920 : i32
      %sub3A_513 = vector.broadcast %sub3A_512 : i32 to vector<16xi32>
      %sub3A_514 = arith.subi %get3A_508, %sub3A_513 : vector<16xi32>
      %jit3A_515 = arith.constant 0 : i32
      %broadcast_in_dim3A_516 = vector.broadcast %jit3A_515 : i32 to vector<16xi32>
      %select_n3A_517 = arith.select %ge3A_511, %sub3A_514, %broadcast_in_dim3A_516 : vector<16xi1>, vector<16xi32>
      tpu.vector_store_idx %arg5[%select_n3A_517], %broadcast_in_dim3A_5 masked %ge3A_511 : memref<50080xf32, #tpu.memory_space<vmem>>[vector<16xi32>], vector<16xf32>, vector<16xi1>
      %get3A_518 = arith.index_cast %scan3A_358 : i32 to index
      %get3A_519 = arith.constant 32 : index
      %get3A_520 = tpu.vector_load %arg6[%get3A_518, %get3A_519] {strides = array<i32>} : memref<32x200xi32, #tpu.memory_space<vmem>>, vector<16xi32>,
      %ge3A_521 = arith.constant 49920 : i32
      %ge3A_522 = vector.broadcast %ge3A_521 : i32 to vector<16xi32>
      %ge3A_523 = arith.cmpi sge, %get3A_520, %ge3A_522 : vector<16xi32>
      %sub3A_524 = arith.constant 49920 : i32
      %sub3A_525 = vector.broadcast %sub3A_524 : i32 to vector<16xi32>
      %sub3A_526 = arith.subi %get3A_520, %sub3A_525 : vector<16xi32>
      %jit3A_527 = arith.constant 0 : i32
      %broadcast_in_dim3A_528 = vector.broadcast %jit3A_527 : i32 to vector<16xi32>
      %select_n3A_529 = arith.select %ge3A_523, %sub3A_526, %broadcast_in_dim3A_528 : vector<16xi1>, vector<16xi32>
      tpu.vector_store_idx %arg5[%select_n3A_529], %broadcast_in_dim3A_5 masked %ge3A_523 : memref<50080xf32, #tpu.memory_space<vmem>>[vector<16xi32>], vector<16xf32>, vector<16xi1>
      %get3A_530 = arith.index_cast %scan3A_358 : i32 to index
      %get3A_531 = arith.constant 48 : index
      %get3A_532 = tpu.vector_load %arg6[%get3A_530, %get3A_531] {strides = array<i32>} : memref<32x200xi32, #tpu.memory_space<vmem>>, vector<16xi32>,
      %ge3A_533 = arith.constant 49920 : i32
      %ge3A_534 = vector.broadcast %ge3A_533 : i32 to vector<16xi32>
      %ge3A_535 = arith.cmpi sge, %get3A_532, %ge3A_534 : vector<16xi32>
      %sub3A_536 = arith.constant 49920 : i32
      %sub3A_537 = vector.broadcast %sub3A_536 : i32 to vector<16xi32>
      %sub3A_538 = arith.subi %get3A_532, %sub3A_537 : vector<16xi32>
      %jit3A_539 = arith.constant 0 : i32
      %broadcast_in_dim3A_540 = vector.broadcast %jit3A_539 : i32 to vector<16xi32>
      %select_n3A_541 = arith.select %ge3A_535, %sub3A_538, %broadcast_in_dim3A_540 : vector<16xi1>, vector<16xi32>
      tpu.vector_store_idx %arg5[%select_n3A_541], %broadcast_in_dim3A_5 masked %ge3A_535 : memref<50080xf32, #tpu.memory_space<vmem>>[vector<16xi32>], vector<16xf32>, vector<16xi1>
      %get3A_542 = arith.index_cast %scan3A_358 : i32 to index
      %get3A_543 = arith.constant 64 : index
      %get3A_544 = tpu.vector_load %arg6[%get3A_542, %get3A_543] {strides = array<i32>} : memref<32x200xi32, #tpu.memory_space<vmem>>, vector<16xi32>,
      %ge3A_545 = arith.constant 49920 : i32
      %ge3A_546 = vector.broadcast %ge3A_545 : i32 to vector<16xi32>
      %ge3A_547 = arith.cmpi sge, %get3A_544, %ge3A_546 : vector<16xi32>
      %sub3A_548 = arith.constant 49920 : i32
      %sub3A_549 = vector.broadcast %sub3A_548 : i32 to vector<16xi32>
      %sub3A_550 = arith.subi %get3A_544, %sub3A_549 : vector<16xi32>
      %jit3A_551 = arith.constant 0 : i32
      %broadcast_in_dim3A_552 = vector.broadcast %jit3A_551 : i32 to vector<16xi32>
      %select_n3A_553 = arith.select %ge3A_547, %sub3A_550, %broadcast_in_dim3A_552 : vector<16xi1>, vector<16xi32>
      tpu.vector_store_idx %arg5[%select_n3A_553], %broadcast_in_dim3A_5 masked %ge3A_547 : memref<50080xf32, #tpu.memory_space<vmem>>[vector<16xi32>], vector<16xf32>, vector<16xi1>
      %get3A_554 = arith.index_cast %scan3A_358 : i32 to index
      %get3A_555 = arith.constant 80 : index
      %get3A_556 = tpu.vector_load %arg6[%get3A_554, %get3A_555] {strides = array<i32>} : memref<32x200xi32, #tpu.memory_space<vmem>>, vector<16xi32>,
      %ge3A_557 = arith.constant 49920 : i32
      %ge3A_558 = vector.broadcast %ge3A_557 : i32 to vector<16xi32>
      %ge3A_559 = arith.cmpi sge, %get3A_556, %ge3A_558 : vector<16xi32>
      %sub3A_560 = arith.constant 49920 : i32
      %sub3A_561 = vector.broadcast %sub3A_560 : i32 to vector<16xi32>
      %sub3A_562 = arith.subi %get3A_556, %sub3A_561 : vector<16xi32>
      %jit3A_563 = arith.constant 0 : i32
      %broadcast_in_dim3A_564 = vector.broadcast %jit3A_563 : i32 to vector<16xi32>
      %select_n3A_565 = arith.select %ge3A_559, %sub3A_562, %broadcast_in_dim3A_564 : vector<16xi1>, vector<16xi32>
      tpu.vector_store_idx %arg5[%select_n3A_565], %broadcast_in_dim3A_5 masked %ge3A_559 : memref<50080xf32, #tpu.memory_space<vmem>>[vector<16xi32>], vector<16xf32>, vector<16xi1>
      %get3A_566 = arith.index_cast %scan3A_358 : i32 to index
      %get3A_567 = arith.constant 96 : index
      %get3A_568 = tpu.vector_load %arg6[%get3A_566, %get3A_567] {strides = array<i32>} : memref<32x200xi32, #tpu.memory_space<vmem>>, vector<16xi32>,
      %ge3A_569 = arith.constant 49920 : i32
      %ge3A_570 = vector.broadcast %ge3A_569 : i32 to vector<16xi32>
      %ge3A_571 = arith.cmpi sge, %get3A_568, %ge3A_570 : vector<16xi32>
      %sub3A_572 = arith.constant 49920 : i32
      %sub3A_573 = vector.broadcast %sub3A_572 : i32 to vector<16xi32>
      %sub3A_574 = arith.subi %get3A_568, %sub3A_573 : vector<16xi32>
      %jit3A_575 = arith.constant 0 : i32
      %broadcast_in_dim3A_576 = vector.broadcast %jit3A_575 : i32 to vector<16xi32>
      %select_n3A_577 = arith.select %ge3A_571, %sub3A_574, %broadcast_in_dim3A_576 : vector<16xi1>, vector<16xi32>
      tpu.vector_store_idx %arg5[%select_n3A_577], %broadcast_in_dim3A_5 masked %ge3A_571 : memref<50080xf32, #tpu.memory_space<vmem>>[vector<16xi32>], vector<16xf32>, vector<16xi1>
      %get3A_578 = arith.index_cast %scan3A_358 : i32 to index
      %get3A_579 = arith.constant 112 : index
      %get3A_580 = tpu.vector_load %arg6[%get3A_578, %get3A_579] {strides = array<i32>} : memref<32x200xi32, #tpu.memory_space<vmem>>, vector<16xi32>,
      %ge3A_581 = arith.constant 49920 : i32
      %ge3A_582 = vector.broadcast %ge3A_581 : i32 to vector<16xi32>
      %ge3A_583 = arith.cmpi sge, %get3A_580, %ge3A_582 : vector<16xi32>
      %sub3A_584 = arith.constant 49920 : i32
      %sub3A_585 = vector.broadcast %sub3A_584 : i32 to vector<16xi32>
      %sub3A_586 = arith.subi %get3A_580, %sub3A_585 : vector<16xi32>
      %jit3A_587 = arith.constant 0 : i32
      %broadcast_in_dim3A_588 = vector.broadcast %jit3A_587 : i32 to vector<16xi32>
      %select_n3A_589 = arith.select %ge3A_583, %sub3A_586, %broadcast_in_dim3A_588 : vector<16xi1>, vector<16xi32>
      tpu.vector_store_idx %arg5[%select_n3A_589], %broadcast_in_dim3A_5 masked %ge3A_583 : memref<50080xf32, #tpu.memory_space<vmem>>[vector<16xi32>], vector<16xf32>, vector<16xi1>
      %get3A_590 = arith.index_cast %scan3A_358 : i32 to index
      %get3A_591 = arith.constant 128 : index
      %get3A_592 = tpu.vector_load %arg6[%get3A_590, %get3A_591] {strides = array<i32>} : memref<32x200xi32, #tpu.memory_space<vmem>>, vector<16xi32>,
      %ge3A_593 = arith.constant 49920 : i32
      %ge3A_594 = vector.broadcast %ge3A_593 : i32 to vector<16xi32>
      %ge3A_595 = arith.cmpi sge, %get3A_592, %ge3A_594 : vector<16xi32>
      %sub3A_596 = arith.constant 49920 : i32
      %sub3A_597 = vector.broadcast %sub3A_596 : i32 to vector<16xi32>
      %sub3A_598 = arith.subi %get3A_592, %sub3A_597 : vector<16xi32>
      %jit3A_599 = arith.constant 0 : i32
      %broadcast_in_dim3A_600 = vector.broadcast %jit3A_599 : i32 to vector<16xi32>
      %select_n3A_601 = arith.select %ge3A_595, %sub3A_598, %broadcast_in_dim3A_600 : vector<16xi1>, vector<16xi32>
      tpu.vector_store_idx %arg5[%select_n3A_601], %broadcast_in_dim3A_5 masked %ge3A_595 : memref<50080xf32, #tpu.memory_space<vmem>>[vector<16xi32>], vector<16xf32>, vector<16xi1>
      %get3A_602 = arith.index_cast %scan3A_358 : i32 to index
      %get3A_603 = arith.constant 144 : index
      %get3A_604 = tpu.vector_load %arg6[%get3A_602, %get3A_603] {strides = array<i32>} : memref<32x200xi32, #tpu.memory_space<vmem>>, vector<16xi32>,
      %ge3A_605 = arith.constant 49920 : i32
      %ge3A_606 = vector.broadcast %ge3A_605 : i32 to vector<16xi32>
      %ge3A_607 = arith.cmpi sge, %get3A_604, %ge3A_606 : vector<16xi32>
      %sub3A_608 = arith.constant 49920 : i32
      %sub3A_609 = vector.broadcast %sub3A_608 : i32 to vector<16xi32>
      %sub3A_610 = arith.subi %get3A_604, %sub3A_609 : vector<16xi32>
      %jit3A_611 = arith.constant 0 : i32
      %broadcast_in_dim3A_612 = vector.broadcast %jit3A_611 : i32 to vector<16xi32>
      %select_n3A_613 = arith.select %ge3A_607, %sub3A_610, %broadcast_in_dim3A_612 : vector<16xi1>, vector<16xi32>
      tpu.vector_store_idx %arg5[%select_n3A_613], %broadcast_in_dim3A_5 masked %ge3A_607 : memref<50080xf32, #tpu.memory_space<vmem>>[vector<16xi32>], vector<16xf32>, vector<16xi1>
      %get3A_614 = arith.index_cast %scan3A_358 : i32 to index
      %get3A_615 = arith.constant 160 : index
      %get3A_616 = tpu.vector_load %arg6[%get3A_614, %get3A_615] {strides = array<i32>} : memref<32x200xi32, #tpu.memory_space<vmem>>, vector<16xi32>,
      %ge3A_617 = arith.constant 49920 : i32
      %ge3A_618 = vector.broadcast %ge3A_617 : i32 to vector<16xi32>
      %ge3A_619 = arith.cmpi sge, %get3A_616, %ge3A_618 : vector<16xi32>
      %sub3A_620 = arith.constant 49920 : i32
      %sub3A_621 = vector.broadcast %sub3A_620 : i32 to vector<16xi32>
      %sub3A_622 = arith.subi %get3A_616, %sub3A_621 : vector<16xi32>
      %jit3A_623 = arith.constant 0 : i32
      %broadcast_in_dim3A_624 = vector.broadcast %jit3A_623 : i32 to vector<16xi32>
      %select_n3A_625 = arith.select %ge3A_619, %sub3A_622, %broadcast_in_dim3A_624 : vector<16xi1>, vector<16xi32>
      tpu.vector_store_idx %arg5[%select_n3A_625], %broadcast_in_dim3A_5 masked %ge3A_619 : memref<50080xf32, #tpu.memory_space<vmem>>[vector<16xi32>], vector<16xf32>, vector<16xi1>
      %get3A_626 = arith.index_cast %scan3A_358 : i32 to index
      %get3A_627 = arith.constant 176 : index
      %get3A_628 = tpu.vector_load %arg6[%get3A_626, %get3A_627] {strides = array<i32>} : memref<32x200xi32, #tpu.memory_space<vmem>>, vector<16xi32>,
      %ge3A_629 = arith.constant 49920 : i32
      %ge3A_630 = vector.broadcast %ge3A_629 : i32 to vector<16xi32>
      %ge3A_631 = arith.cmpi sge, %get3A_628, %ge3A_630 : vector<16xi32>
      %sub3A_632 = arith.constant 49920 : i32
      %sub3A_633 = vector.broadcast %sub3A_632 : i32 to vector<16xi32>
      %sub3A_634 = arith.subi %get3A_628, %sub3A_633 : vector<16xi32>
      %jit3A_635 = arith.constant 0 : i32
      %broadcast_in_dim3A_636 = vector.broadcast %jit3A_635 : i32 to vector<16xi32>
      %select_n3A_637 = arith.select %ge3A_631, %sub3A_634, %broadcast_in_dim3A_636 : vector<16xi1>, vector<16xi32>
      tpu.vector_store_idx %arg5[%select_n3A_637], %broadcast_in_dim3A_5 masked %ge3A_631 : memref<50080xf32, #tpu.memory_space<vmem>>[vector<16xi32>], vector<16xf32>, vector<16xi1>
      %get3A_638 = arith.index_cast %scan3A_358 : i32 to index
      %get3A_639 = arith.constant 184 : index
      %get3A_640 = tpu.vector_load %arg6[%get3A_638, %get3A_639] {strides = array<i32>} : memref<32x200xi32, #tpu.memory_space<vmem>>, vector<16xi32>,
      %ge3A_641 = arith.constant 49920 : i32
      %ge3A_642 = vector.broadcast %ge3A_641 : i32 to vector<16xi32>
      %ge3A_643 = arith.cmpi sge, %get3A_640, %ge3A_642 : vector<16xi32>
      %sub3A_644 = arith.constant 49920 : i32
      %sub3A_645 = vector.broadcast %sub3A_644 : i32 to vector<16xi32>
      %sub3A_646 = arith.subi %get3A_640, %sub3A_645 : vector<16xi32>
      %jit3A_647 = arith.constant 0 : i32
      %broadcast_in_dim3A_648 = vector.broadcast %jit3A_647 : i32 to vector<16xi32>
      %select_n3A_649 = arith.select %ge3A_643, %sub3A_646, %broadcast_in_dim3A_648 : vector<16xi1>, vector<16xi32>
      tpu.vector_store_idx %arg5[%select_n3A_649], %broadcast_in_dim3A_5 masked %ge3A_643 : memref<50080xf32, #tpu.memory_space<vmem>>[vector<16xi32>], vector<16xf32>, vector<16xi1>
      %dma_start3A_650 = arith.constant 49920 : i32
      %dma_start3A_651 = tpu.memref_slice %arg3[%add3A_359, %dma_start3A_650] : memref<1024x100000xf32, #tpu.memory_space<hbm>> -> memref<1x50080xf32, #tpu.memory_space<hbm>>
      %dma_start3A_652 = tpu.memref_squeeze %dma_start3A_651 : memref<1x50080xf32, #tpu.memory_space<hbm>> -> memref<50080xf32, #tpu.memory_space<hbm>>
      %dma_start3A_653 = arith.constant 49920 : i32
      %dma_start3A_654 = tpu.memref_slice %arg3[%add3A_359, %dma_start3A_653] : memref<1024x100000xf32, #tpu.memory_space<hbm>> -> memref<1x50080xf32, #tpu.memory_space<hbm>>
      %dma_start3A_655 = tpu.memref_squeeze %dma_start3A_654 : memref<1x50080xf32, #tpu.memory_space<hbm>> -> memref<50080xf32, #tpu.memory_space<hbm>>
      tpu.enqueue_dma source(%arg5 : memref<50080xf32, #tpu.memory_space<vmem>>) target(%dma_start3A_655 : memref<50080xf32, #tpu.memory_space<hbm>>) target_semaphore(%arg8 : memref<!tpu.dma_semaphore, #tpu.memory_space<semaphore_mem>>)
    }
    %scan3A_337 = arith.constant 31 : i32
    %add3A_338 = arith.constant 32 : i32
    %add3A_339 = arith.addi %mul3A_2, %add3A_338 : i32
    %sub3A_340 = arith.constant 1 : i32
    %sub3A_341 = arith.subi %add3A_339, %sub3A_340 : i32
    %dma_wait3A_342 = arith.constant 0 : i32
    %dma_wait3A_343 = tpu.memref_slice %arg4[%dma_wait3A_342] : memref<50080xf32, #tpu.memory_space<vmem>> -> memref<49920xf32, #tpu.memory_space<vmem>>
    %dma_wait3A_344 = arith.constant 0 : i32
    %dma_wait3A_345 = tpu.memref_slice %arg3[%sub3A_341, %dma_wait3A_344] : memref<1024x100000xf32, #tpu.memory_space<hbm>> -> memref<1x49920xf32, #tpu.memory_space<hbm>>
    %dma_wait3A_346 = tpu.memref_squeeze %dma_wait3A_345 : memref<1x49920xf32, #tpu.memory_space<hbm>> -> memref<49920xf32, #tpu.memory_space<hbm>>
    %dma_wait3A_347 = arith.constant 0 : i32
    %dma_wait3A_348 = tpu.memref_slice %arg3[%sub3A_341, %dma_wait3A_347] : memref<1024x100000xf32, #tpu.memory_space<hbm>> -> memref<1x49920xf32, #tpu.memory_space<hbm>>
    %dma_wait3A_349 = tpu.memref_squeeze %dma_wait3A_348 : memref<1x49920xf32, #tpu.memory_space<hbm>> -> memref<49920xf32, #tpu.memory_space<hbm>>
    %dma_wait3A_350 = arith.constant 0 : i32
    %dma_wait3A_351 = tpu.memref_slice %arg4[%dma_wait3A_350] : memref<50080xf32, #tpu.memory_space<vmem>> -> memref<49920xf32, #tpu.memory_space<vmem>>
    tpu.wait_dma2 semaphore(%arg7 : memref<!tpu.dma_semaphore, #tpu.memory_space<semaphore_mem>>) src(%dma_wait3A_351 : memref<49920xf32, #tpu.memory_space<vmem>>) dst(%dma_wait3A_349 : memref<49920xf32, #tpu.memory_space<hbm>>)
    %dma_wait3A_352 = arith.constant 49920 : i32
    %dma_wait3A_353 = tpu.memref_slice %arg3[%sub3A_341, %dma_wait3A_352] : memref<1024x100000xf32, #tpu.memory_space<hbm>> -> memref<1x50080xf32, #tpu.memory_space<hbm>>
    %dma_wait3A_354 = tpu.memref_squeeze %dma_wait3A_353 : memref<1x50080xf32, #tpu.memory_space<hbm>> -> memref<50080xf32, #tpu.memory_space<hbm>>
    %dma_wait3A_355 = arith.constant 49920 : i32
    %dma_wait3A_356 = tpu.memref_slice %arg3[%sub3A_341, %dma_wait3A_355] : memref<1024x100000xf32, #tpu.memory_space<hbm>> -> memref<1x50080xf32, #tpu.memory_space<hbm>>
    %dma_wait3A_357 = tpu.memref_squeeze %dma_wait3A_356 : memref<1x50080xf32, #tpu.memory_space<hbm>> -> memref<50080xf32, #tpu.memory_space<hbm>>
    tpu.wait_dma2 semaphore(%arg8 : memref<!tpu.dma_semaphore, #tpu.memory_space<semaphore_mem>>) src(%arg5 : memref<50080xf32, #tpu.memory_space<vmem>>) dst(%dma_wait3A_357 : memref<50080xf32, #tpu.memory_space<hbm>>)
    return
  }
}

</mosaic_0001>

<sc_bundles>
// kernel: kernel.3.cloned.1.call-start
scs
__scs_entry_jumppad:
0x0: {  	(pc) =	sbr.rel $0x88, $3  }
0x1: {  	(tag) =	ssettag $0x0;
	lr =	simm.s32 $0x1  }
0x2: {  	[smem:$0x3FA0] =	sst lr;
	_ =	strace $0xD0000000  }
0x3: {  	_ = 	snop  }
0x4: {  	_ = 	snop  }
0x5: {  	_ = 	snop  }
0x6: {  	_ = 	snop  }
0x7: {  	_ = 	snop  }
__scs_overlays_trampoline_lowered:
0x8: {  	[smem:$0x3FAF] =	sst s0  }
0x9: {  	[smem:$0x3FB0] =	sst s1  }
0xa: {  	[smem:$0x3FB1] =	sst s2  }
0xb: {  	[smem:$0x3FB2] =	sst s3  }
0xc: {  	[smem:$0x3FB3] =	sst s4  }
0xd: {  	[smem:$0x3FB4] =	sst s5  }
0xe: {  	[smem:$0x3FB5] =	sst s6  }
0xf: {  	[smem:$0x3FB6] =	sst s7  }
0x10: {  	[smem:$0x3FB7] =	sst s8  }
0x11: {  	[smem:$0x3FB8] =	sst s9;
	s0 =	simm.s32 @!p0 $0x0  }
0x12: {  	s1 =	sld [smem:$0x3F9E];
	s0 =	simm.s32 @p0 $0x1  }
0x13: {  	[smem:$0x3FB9] =	sst s0;
	s0 =	simm.s32 @!p1 $0x0  }
0x14: {  	s2 =	sld [smem:$0x3F9D];
	s0 =	simm.s32 @p1 $0x1  }
0x15: {  	[smem:$0x3FBA] =	sst s0;
	s0 =	simm.s32 @!p2 $0x0  }
0x16: {  	s3 =	sld [smem:$0x3FDB];
	s0 =	simm.s32 @p2 $0x1  }
0x17: {  	s4 =	simm.s32 $0x1BF5;
	[smem:$0x3FBC] =	sst s0  }
0x18: {  	s0 =	sld [smem:$0x3F9F];
	_ =	swait.ge [sflag:s4], $0x0  }
0x19: {  	s7 =	sld [smem:$0x3FA0]  }
0x1a: {  	s8 =	sadd.s32 $0xFFFFE003, lr  }
0x1b: {  	s9 =	sadd.s32 $0xFFFFFEF7, lr;
	s5 =	simm.s32 $0xFFFFFFFF;
	p2 =	slt.u32 s8, $0xFFFFF086  }
0x1c: {  	p1 =	slt.u32 s9, $0xF7A;
	s5 =	simm.s32 @!p2 $0x0  }
0x1d: {  	s5 =	simm.s32 @p1 $0x1;
	p0 =	seq.s32 s7, s2  }
0x1e: {  	s7 =	smul.u32 @!p0 $0xF7A, s2;
	p2 =	seq.s32 @!p0 s5, $0x0  }
0x1f: {  	s9 =	smul.u32 $0xF7A, s1;
	s8 =	simm.s32 @!p0 $0x1BF5;
	p2 =	por !p2, p0  }
0x20: {  	[sflag:s8] =	ssyncset.s32 @!p0 $0xFFFFF086;
	s6 =	sadd.s32 @!p0 s3, s7;
	s7 =	simm.s32 @!p0 $0x108  }
0x21: {  	s3 =	sadd.s32 s3, s9;
	s6 =	sadd.s32 @!p0 $0x88, s6;
	s7 =	simm.s32 @p2 $0x1082  }
0x22: {  	[simem:s7], [sflag:s8] =	dma.local @!p0 [hbm:s6], $0xF7A  }
0x23: {  	s9 =	sor.u32 $0xD0000000, s2;
	s6 =	simm.s32 $0x108;
	_ =	swait.ge @!p0 [sflag:s8], $0x0  }
0x24: {  	s3 =	sadd.s32 $0x88, s3;
	s6 =	simm.s32 @!p1 $0x1082;
	[sflag:s4] =	ssyncset.s32 $0xFFFFF086  }
0x25: {  	[simem:s6], [sflag:s4] =	dma.local [hbm:s3], $0xF7A  }
0x26: {  	[smem:$0x3FA0] =	sst s1;
	(tag) =	ssettag s2;
	_ =	strace s9  }
0x27: {  	s1 =	sld [smem:$0x3FB0]  }
0x28: {  	s2 =	sld [smem:$0x3FB1]  }
0x29: {  	s4 =	sld [smem:$0x3FB3]  }
0x2a: {  	p0 =	seq.s32 s5, $0x0;
	s5 =	sld [smem:$0x3FB4]  }
0x2b: {  	s6 =	sld [smem:$0x3FB5]  }
0x2c: {  	s7 =	sld [smem:$0x3FB6]  }
0x2d: {  	s3 =	simm.s32 $0x108;
	s8 =	sld [smem:$0x3FB7]  }
0x2e: {  	s3 =	simm.s32 @!p0 $0x1082;
	s9 =	sld [smem:$0x3FB8]  }
0x2f: {  	lr =	sadd.s32 s0, s3;
	s0 =	sld [smem:$0x3FAF]  }
0x30: {  	s3 =	sld [smem:$0x3FB2]  }
0x31: {  	[smem:$0x3FBB] =	sst s10  }
0x32: {  	s10 =	sld [smem:$0x3FB9];
	_ =	sdelay $0x3  }
0x33: {  	p0 =	seq.s32 s10, $0x1;
	s10 =	sld [smem:$0x3FBB];
	_ =	sdelay $0x3  }
0x34: {  	[smem:$0x3FBB] =	sst s10  }
0x35: {  	s10 =	sld [smem:$0x3FBA];
	_ =	sdelay $0x3  }
0x36: {  	p1 =	seq.s32 s10, $0x1;
	s10 =	sld [smem:$0x3FBB];
	_ =	sdelay $0x3  }
0x37: {  	[smem:$0x3FBB] =	sst s10  }
0x38: {  	s10 =	sld [smem:$0x3FBC]  }
0x39: {  	_ = 	snop;
	(pc) =	sbr.ind lr, $3  }
0x3a: {  	_ = 	snop  }
0x3b: {  	_ = 	snop  }
0x3c: {  	p2 =	seq.s32 s10, $0x1;
	s10 =	sld [smem:$0x3FBB]  }
0x3d: {  	_ =	shalt  }
0x3e: {  	_ =	shalt  }
0x3f: {  	_ =	shalt  }
0x40: {  	_ =	shalt  }
0x41: {  	_ =	shalt  }
0x42: {  	_ =	shalt  }
0x43: {  	_ =	shalt  }
0x44: {  	_ =	shalt  }
0x45: {  	_ =	shalt  }
0x46: {  	_ =	shalt  }
0x47: {  	_ =	shalt  }
0x48: {  	_ =	shalt  }
0x49: {  	_ =	shalt  }
0x4a: {  	_ =	shalt  }
0x4b: {  	_ =	shalt  }
0x4c: {  	_ =	shalt  }
0x4d: {  	_ =	shalt  }
0x4e: {  	_ =	shalt  }
0x4f: {  	_ =	shalt  }
0x50: {  	_ =	shalt  }
0x51: {  	_ =	shalt  }
0x52: {  	_ =	shalt  }
0x53: {  	_ =	shalt  }
0x54: {  	_ =	shalt  }
0x55: {  	_ =	shalt  }
0x56: {  	_ =	shalt  }
0x57: {  	_ =	shalt  }
0x58: {  	_ =	shalt  }
0x59: {  	_ =	shalt  }
0x5a: {  	_ =	shalt  }
0x5b: {  	_ =	shalt  }
0x5c: {  	_ =	shalt  }
0x5d: {  	_ =	shalt  }
0x5e: {  	_ =	shalt  }
0x5f: {  	_ =	shalt  }
0x60: {  	_ =	shalt  }
0x61: {  	_ =	shalt  }
0x62: {  	_ =	shalt  }
0x63: {  	_ =	shalt  }
0x64: {  	_ =	shalt  }
0x65: {  	_ =	shalt  }
0x66: {  	_ =	shalt  }
0x67: {  	_ =	shalt  }
0x68: {  	_ =	shalt  }
0x69: {  	_ =	shalt  }
0x6a: {  	_ =	shalt  }
0x6b: {  	_ =	shalt  }
0x6c: {  	_ =	shalt  }
0x6d: {  	_ =	shalt  }
0x6e: {  	_ =	shalt  }
0x6f: {  	_ =	shalt  }
0x70: {  	_ =	shalt  }
0x71: {  	_ =	shalt  }
0x72: {  	_ =	shalt  }
0x73: {  	_ =	shalt  }
0x74: {  	_ =	shalt  }
0x75: {  	_ =	shalt  }
0x76: {  	_ =	shalt  }
0x77: {  	_ =	shalt  }
0x78: {  	_ =	shalt  }
0x79: {  	_ =	shalt  }
0x7a: {  	_ =	shalt  }
0x7b: {  	_ =	shalt  }
0x7c: {  	_ =	shalt  }
0x7d: {  	_ =	shalt  }
0x7e: {  	_ =	shalt  }
0x7f: {  	_ =	shalt  }
0x80: {  	_ =	shalt  }
0x81: {  	_ =	shalt  }
0x82: {  	_ =	shalt  }
0x83: {  	_ =	shalt  }
0x84: {  	_ =	shalt  }
0x85: {  	_ =	shalt  }
0x86: {  	_ =	shalt  }
0x87: {  	_ =	shalt  }
.Lfunc_end0:
.L_simem_size_0:
called_computation_lowered:
.L_overlay_start_0:
0x88: {  	s2 =	sld [smem:$0x3FD9]  }
0x89: {  	s3 =	sld [smem:$0x3FFE];
	_ =	sdelay $0x1  }
0x8a: {  	s1 =	srdreg.scid  }
0x8b: {  	s0 =	sand.u32 $0x1, s1  }
0x8c: {  	s17 =	sshll.u32 s0, $0xA;
	s2 =	sadd.s32 s3, s2  }
0x8d: {  	s2 =	sadd.s32 s2, s17  }
0x8e: {  	[smem:$0x3FC7] =	sst s2  }
0x8f: {  	_ = 	snop  }
0x90: {  	s2 =	sld [smem:$0x3FD0];
	(tm) =	ssettm $0x1  }
0x91: {  	s18 =	sld [smem:$0x3FFB];
	_ =	sdelay $0x3  }
0x92: {  	_ =	strace s18  }
0x93: {  	s3 =	sld [smem:$0x3FFC];
	_ =	sdelay $0x3  }
0x94: {  	_ =	strace s3  }
0x95: {  	s3 =	sld [smem:$0x3FFD];
	_ =	sdelay $0x3  }
0x96: {  	_ =	strace s3  }
0x97: {  	_ =	strace $0x8FFFFFFF  }
0x98: {  	s19 =	sld [smem:$0x3FDB];
	_ =	sdelay $0x1  }
0x99: {  	s4 =	simm.s32 $_scs_section_size  }
0x9a: {  	s5 =	simm.s32 $_size__tile_overlayer_lowered;
	s6 =	simm.s32 $_tile_overlayer_lowered  }
0x9b: {  	s22 =	simm.s32 $0x1BFF;
	s21 =	sshll.u32 s6, $0x1;
	s3 =	sadd.s32 s4, s19  }
0x9c: {  	s7 =	simm.s32 $0x0;
	s20 =	sshll.u32 s5, $0x1;
	s5 =	sadd.s32 s21, s3  }
0x9d: {  	[timem:s7], [sflag:s22] =	dma.local [hbm:s5], s20  }
0x9e: {  	_ =	swait.ge [sflag:s22], s20  }
0x9f: {  	s4 =	ssub.s32 $0x0, s20;
	[sflag:s22] =	ssyncset.done $0x0  }
0xa0: {  	[sflag:s22] =	ssyncadd.s32 s4;
	_ =	sdelay $0x1  }
0xa1: {  	s23 =	simm.s32 $0x1B8B  }
0xa2: {  	_ =	swait.ge [sflag:s23], $0x1  }
0xa3: {  	[sflag:s23] =	ssyncset.done $0x0  }
0xa4: {  	s25 =	simm.s32 $0x1B8E;
	s24 =	sld [smem:$0x3FFE];
	[sflag:s23] =	ssyncadd.s32 $0xFFFFFFFF  }
0xa5: {  	s26 =	simm.s32 $execute0_lowered;
	[smem:$0x3FD2] =	sst s25  }
0xa6: {  	s5 =	sshll.u32 s26, $0x1;
	_ =	strace $0x80000046;
	[dreg:$0x1] =	wrdreg $0xFFFFFFFF  }
0xa7: {  	s28 =	simm.s32 $_size_execute0_lowered;
	s3 =	sadd.s32 s3, s5;
	[dreg:$0x0] =	wrdreg $0x0  }
0xa8: {  	s5 =	sshll.u32 s28, $0x1;
	[dreg:$0x2] =	wrdreg s3  }
0xa9: {  	[dreg:$0x3] =	wrdreg s5  }
0xaa: {  	[dreg:$0x4] =	wrdreg $0xC0  }
0xab: {  	_ =	task [dreg:s7], $0x5FFFF  }
0xac: {  	[dreg:$0x1] =	wrdreg $0xFFFFFFFF  }
0xad: {  	[dreg:$0x0] =	wrdreg $0x60  }
0xae: {  	[dreg:$0x2] =	wrdreg s2  }
0xaf: {  	[dreg:$0x3] =	wrdreg s24  }
0xb0: {  	[dreg:$0x4] =	wrdreg $0x9  }
0xb1: {  	_ =	task.clear_ibuf [dreg:s7], $0x5FFFF;
	_ =	strace $0x90000046  }
0xb2: {  	s29 =	simm.s32 $0x9;
	_ =	strace $0x80000048  }
0xb3: {  	_ =	swait.ge [sflag:s29], $0x1  }
0xb4: {  	[sflag:s29] =	ssyncadd.s32 $0xFFFFFFFF  }
0xb5: {  	_ =	strace $0x90000048  }
0xb6: {  	_ =	sfence  }
0xb7: {  	s30 =	sld [smem:$0x0];
	_ =	sdelay $0x2  }
0xb8: {  	s31 =	sshll.u32 s1, $0xD;
	s1 =	sshrl.u32 s1, $0x2  }
0xb9: {  	s3 =	sand.u32 $0x4000, s31;
	s1 =	sadd.s32 s1, s30  }
0xba: {  	s0 =	sor.u32 s3, s0;
	s1 =	sshll.u32 s1, $0x11  }
0xbb: {  	s0 =	sor.u32 s1, s0  }
0xbc: {  	s0 =	sadd.s32 $0x8F2B, s0  }
0xbd: {  	[sflag:s0] =	ssyncadd.remote.s32 $0x1  }
0xbe: {  	_ =	sfence.sel $0xFFFF  }
0xbf: {  	[dreg:$0x0] =	wrdreg $0xFFFFFFFF;
	(pc) =	sbr.abs _section_cstart, $3  }
0xc0: {  	[dreg:$0x1] =	wrdreg $0xFFFFFFFF  }
0xc1: {  	_ =	task.clear_ibuf [dreg:s7], $0x2FFFF;
	_ =	strace $0x9FFFFFFF  }
0xc2: {  	(tm) =	ssettm $0x7FFFFFFF  }
0xc3: {  	_ =	shalt  }
tec
execute0_lowered:
.L_overlay_start_1:
0x0: {  	(tag) =	ssettag $0x1  }
0x1: {  	s1 =	srdreg.scid  }
0x2: {  	s0 =	stileid.u32;
	s5 =	rddreg [dreg:$0x0]  }
0x3: {  	s4 =	rddreg [dreg:$0x1];
	s10 =	simm.s32 $0x3;
	s11 =	simm.s32 $0x80  }
0x4: {  	s12 =	simm.s32 $0x400;
	s13 =	simm.s32 $0xC400;
	s3 =	sand.u32 $0x1, s1  }
0x5: {  	s14 =	simm.s32 $0x1;
	s30 =	sshll.u32 s0, $0x6;
	s2 =	sshll.u32 s3, $0x5  }
0x6: {  	s15 =	simm.s32 $0x2;
	s16 =	simm.s32 $0x0;
	s8 =	sor.u32 s2, s30  }
0x7: {  	s1 =	rddreg [dreg:$0x2];
	s7 =	ssub.s32 $0x2, s3;
	s6 =	sshrl.u32 s8, $0x3  }
0x8: {  	s2 =	simm.s32 $0x0;
	s31 =	sshrl.u32 s7, $0x1;
	s6 =	smul.u32 $0xC3800, s6  }
0x9: {  	s3 =	sadd.s32 $0x400, s4;
	[smem:$0x7FF] =	sst s2;
	s7 =	ssub.s32 s7, s31  }
0xa: {  	s9 =	sshll.u32 s8, $0x5;
	s8 =	sor.u32 $0x1, s8;
	s6 =	sshrl.u32 s6, $0x3  }
0xb: {  	_ =	strace $0x80000047;
	s5 =	sadd.s32 s5, s9;
	s4 =	sadd.s32 s3, s6  }
0xc: {  	v0 =	vimm.f32 $0.0e+00;
	v1 =	vimm.f32 $1.000000000e+00;
	s7 =	smax.u32 s7, $0x1;
	s9 =	simm.s32 $0x18800;
	s6 =	sadd.s32 $0xC300, s4  }
.LBB2_1:
0xd: {  	[tilespmem:s9], [sflag:$0x3] =	stream.linear.gather [hbm4b:s5+s2], $0x2000, $0x38;
	[tilespmem:$0x1A800] =	vst v63  }
0xe: {  	s17 =	simm.s32 $0x50  }
0xf: {  	[tilespmem:s17+$0xFFFFFFC0] =	vst v0  }
0x10: {  	[tilespmem:s17+$0xFFFFFFD0] =	vst v0  }
0x11: {  	[tilespmem:s17+$0xFFFFFFE0] =	vst v0  }
0x12: {  	[tilespmem:s17+$0xFFFFFFF0] =	vst v0  }
0x13: {  	[tilespmem:s17+$0x0] =	vst v0  }
0x14: {  	[tilespmem:s17+$0x10] =	vst v0  }
0x15: {  	[tilespmem:s17+$0x20] =	vst v0  }
0x16: {  	s19 =	sand.u32 $0x1FFE0, s2;
	s18 =	simm.s32 $0xA0;
	[tilespmem:s17+$0xFFFFFFB0] =	vst v0  }
.LBB2_2:
0x17: {  	p0 =	sne.s32 s18, $0xC300;
	[tilespmem:s19+$0x80] =	vst v0  }
0x18: {  	[tilespmem:s17+$0x40] =	vst v0;
	s17 =	sadd.s32 $0xA0, s17  }
0x19: {  	[tilespmem:s17+$0xFFFFFFC0] =	vst v0  }
0x1a: {  	[tilespmem:s17+$0xFFFFFFD0] =	vst v0  }
0x1b: {  	[tilespmem:s17+$0xFFFFFFE0] =	vst v0  }
.Ltmp0:
0x1c: {  	[tilespmem:s17+$0xFFFFFFF0] =	vst v0;
	(pc) =	sbr.rel @p0 .LBB2_2-.Ltmp0, $4  }
0x1d: {  	[tilespmem:s17+$0x0] =	vst v0  }
0x1e: {  	[tilespmem:s17+$0x10] =	vst v0  }
0x1f: {  	[tilespmem:s17+$0x20] =	vst v0  }
0x20: {  	s19 =	sand.u32 $0x1FFE0, s18;
	s18 =	sadd.s32 $0xA0, s18;
	[tilespmem:s17+$0xFFFFFFB0] =	vst v0  }
0x21: {  	[tilespmem:s19+$0x80] =	vst v0  }
0x22: {  	[tilespmem:s17+$0x40] =	vst v0  }
0x23: {  	_ =	swait.ge [sflag:s10], $0x2000  }
0x24: {  	[sflag:s10] =	ssyncset.done $0x0  }
0x25: {  	[sflag:s10] =	ssyncadd.s32 $0xFFFFE000  }
0x26: {  	v2 =	vld [tilespmem:$0x18800];
	_ =	sdelay $0x4  }
0x27: {  	vm0 =	vlt.s32 v2, $0xC300  }
0x28: {  	v2 =	vnsel vm0, $0x0, v2;
	_ =	sdelay $0x3  }
0x29: {  	s18 =	simm.s32 $0x0  }
0x2a: {  	[tilespmem:v2+s18+$0x0] =	vst.idx.msk vm0, v1  }
0x2b: {  	v2 =	vld [tilespmem:$0x18810];
	_ =	sdelay $0x4  }
0x2c: {  	vm4 =	vlt.s32 v2, $0xC300  }
0x2d: {  	v2 =	vnsel vm4, $0x0, v2;
	_ =	sdelay $0x4  }
0x2e: {  	[tilespmem:v2+s18+$0x0] =	vst.idx.msk vm4, v1  }
0x2f: {  	v2 =	vld [tilespmem:$0x18820];
	_ =	sdelay $0x4  }
0x30: {  	vm5 =	vlt.s32 v2, $0xC300  }
0x31: {  	v2 =	vnsel vm5, $0x0, v2;
	_ =	sdelay $0x4  }
0x32: {  	[tilespmem:v2+s18+$0x0] =	vst.idx.msk vm5, v1  }
0x33: {  	v2 =	vld [tilespmem:$0x18830];
	_ =	sdelay $0x4  }
0x34: {  	vm6 =	vlt.s32 v2, $0xC300  }
0x35: {  	v2 =	vnsel vm6, $0x0, v2;
	_ =	sdelay $0x4  }
0x36: {  	[tilespmem:v2+s18+$0x0] =	vst.idx.msk vm6, v1  }
0x37: {  	v2 =	vld [tilespmem:$0x18840];
	_ =	sdelay $0x4  }
0x38: {  	vm7 =	vlt.s32 v2, $0xC300  }
0x39: {  	v2 =	vnsel vm7, $0x0, v2;
	_ =	sdelay $0x4  }
0x3a: {  	[tilespmem:v2+s18+$0x0] =	vst.idx.msk vm7, v1  }
0x3b: {  	v2 =	vld [tilespmem:$0x18850];
	_ =	sdelay $0x4  }
0x3c: {  	vm8 =	vlt.s32 v2, $0xC300  }
0x3d: {  	v2 =	vnsel vm8, $0x0, v2;
	_ =	sdelay $0x4  }
0x3e: {  	[tilespmem:v2+s18+$0x0] =	vst.idx.msk vm8, v1  }
0x3f: {  	v2 =	vld [tilespmem:$0x18860];
	_ =	sdelay $0x4  }
0x40: {  	vm9 =	vlt.s32 v2, $0xC300  }
0x41: {  	v2 =	vnsel vm9, $0x0, v2;
	_ =	sdelay $0x4  }
0x42: {  	[tilespmem:v2+s18+$0x0] =	vst.idx.msk vm9, v1  }
0x43: {  	v2 =	vld [tilespmem:$0x18870];
	_ =	sdelay $0x4  }
0x44: {  	vm10 =	vlt.s32 v2, $0xC300  }
0x45: {  	v2 =	vnsel vm10, $0x0, v2;
	_ =	sdelay $0x4  }
0x46: {  	[tilespmem:v2+s18+$0x0] =	vst.idx.msk vm10, v1  }
0x47: {  	v2 =	vld [tilespmem:$0x18C00];
	_ =	sdelay $0x4  }
0x48: {  	vm11 =	vlt.s32 v2, $0xC300  }
0x49: {  	v2 =	vnsel vm11, $0x0, v2;
	_ =	sdelay $0x4  }
0x4a: {  	[tilespmem:v2+s18+$0x0] =	vst.idx.msk vm11, v1  }
0x4b: {  	v2 =	vld [tilespmem:$0x18C10];
	_ =	sdelay $0x4  }
0x4c: {  	vm12 =	vlt.s32 v2, $0xC300  }
0x4d: {  	v2 =	vnsel vm12, $0x0, v2;
	_ =	sdelay $0x4  }
0x4e: {  	[tilespmem:v2+s18+$0x0] =	vst.idx.msk vm12, v1  }
0x4f: {  	v2 =	vld [tilespmem:$0x18C20];
	_ =	sdelay $0x4  }
0x50: {  	vm13 =	vlt.s32 v2, $0xC300  }
0x51: {  	v2 =	vnsel vm13, $0x0, v2;
	_ =	sdelay $0x4  }
0x52: {  	[tilespmem:v2+s18+$0x0] =	vst.idx.msk vm13, v1  }
0x53: {  	v2 =	vld [tilespmem:$0x18C30];
	_ =	sdelay $0x4  }
0x54: {  	vm14 =	vlt.s32 v2, $0xC300  }
0x55: {  	v2 =	vnsel vm14, $0x0, v2;
	_ =	sdelay $0x4  }
0x56: {  	[tilespmem:v2+s18+$0x0] =	vst.idx.msk vm14, v1  }
0x57: {  	v2 =	vld [tilespmem:$0x18C38];
	_ =	sdelay $0x4  }
0x58: {  	vm15 =	vlt.s32 v2, $0xC300  }
0x59: {  	v2 =	vnsel vm15, $0x0, v2;
	_ =	sdelay $0x4  }
0x5a: {  	s17 =	simm.s32 $0xC450;
	[tilespmem:v2+s18+$0x0] =	vst.idx.msk vm15, v1  }
0x5b: {  	[hbm4b:s4+s11] =	stream.strided.scatter [tilespmem:s18], [sflag:$0x1], $0xC300, s12, s11, $0x38;
	[tilespmem:$0x1A800] =	vst v63  }
0x5c: {  	[tilespmem:s17+$0xFFFFFFC0] =	vst v0  }
0x5d: {  	[tilespmem:s17+$0xFFFFFFD0] =	vst v0  }
0x5e: {  	[tilespmem:s17+$0xFFFFFFE0] =	vst v0  }
0x5f: {  	[tilespmem:s17+$0xFFFFFFF0] =	vst v0  }
0x60: {  	[tilespmem:s17+$0x0] =	vst v0  }
0x61: {  	[tilespmem:s17+$0x10] =	vst v0  }
0x62: {  	[tilespmem:s17+$0x20] =	vst v0  }
0x63: {  	s19 =	sand.u32 $0x1FFE0, s18;
	s18 =	simm.s32 $0xA0;
	[tilespmem:s17+$0xFFFFFFB0] =	vst v0  }
.LBB2_4:
0x64: {  	p0 =	sne.s32 s18, $0xC300;
	[tilespmem:s19+$0xC480] =	vst v0  }
0x65: {  	[tilespmem:s17+$0x40] =	vst v0;
	s17 =	sadd.s32 $0xA0, s17  }
0x66: {  	[tilespmem:s17+$0xFFFFFFC0] =	vst v0  }
0x67: {  	[tilespmem:s17+$0xFFFFFFD0] =	vst v0  }
0x68: {  	[tilespmem:s17+$0xFFFFFFE0] =	vst v0  }
.Ltmp1:
0x69: {  	[tilespmem:s17+$0xFFFFFFF0] =	vst v0;
	(pc) =	sbr.rel @p0 .LBB2_4-.Ltmp1, $4  }
0x6a: {  	[tilespmem:s17+$0x0] =	vst v0  }
0x6b: {  	[tilespmem:s17+$0x10] =	vst v0  }
0x6c: {  	[tilespmem:s17+$0x20] =	vst v0  }
0x6d: {  	s19 =	sand.u32 $0x1FFE0, s18;
	s18 =	sadd.s32 $0xA0, s18;
	[tilespmem:s17+$0xFFFFFFB0] =	vst v0  }
0x6e: {  	[tilespmem:s19+$0xC480] =	vst v0  }
0x6f: {  	[tilespmem:s17+$0x40] =	vst v0  }
0x70: {  	v2 =	vld [tilespmem:$0x18800];
	_ =	sdelay $0x4  }
0x71: {  	vm0 =	vgt.s32 v2, $0xC300  }
0x72: {  	vm1 =	vgt.s32 v2, $0xC2FF;
	v2 =	vnsel vm0, $0xC300, v2  }
0x73: {  	v2 =	vadd.s32 $0xFFFF3D00, v2;
	_ =	sdelay $0x4  }
0x74: {  	[tilespmem:v2+s13+$0x0] =	vst.idx.msk vm1, v1  }
0x75: {  	v2 =	vld [tilespmem:$0x18810];
	_ =	sdelay $0x4  }
0x76: {  	vm4 =	vgt.s32 v2, $0xC300  }
0x77: {  	vm5 =	vgt.s32 v2, $0xC2FF;
	v2 =	vnsel vm4, $0xC300, v2  }
0x78: {  	v2 =	vadd.s32 $0xFFFF3D00, v2;
	_ =	sdelay $0x4  }
0x79: {  	[tilespmem:v2+s13+$0x0] =	vst.idx.msk vm5, v1  }
0x7a: {  	v2 =	vld [tilespmem:$0x18820];
	_ =	sdelay $0x4  }
0x7b: {  	vm6 =	vgt.s32 v2, $0xC300  }
0x7c: {  	vm7 =	vgt.s32 v2, $0xC2FF;
	v2 =	vnsel vm6, $0xC300, v2  }
0x7d: {  	v2 =	vadd.s32 $0xFFFF3D00, v2;
	_ =	sdelay $0x4  }
0x7e: {  	[tilespmem:v2+s13+$0x0] =	vst.idx.msk vm7, v1  }
0x7f: {  	v2 =	vld [tilespmem:$0x18830];
	_ =	sdelay $0x4  }
0x80: {  	vm8 =	vgt.s32 v2, $0xC300  }
0x81: {  	vm9 =	vgt.s32 v2, $0xC2FF;
	v2 =	vnsel vm8, $0xC300, v2  }
0x82: {  	v2 =	vadd.s32 $0xFFFF3D00, v2;
	_ =	sdelay $0x4  }
0x83: {  	[tilespmem:v2+s13+$0x0] =	vst.idx.msk vm9, v1  }
0x84: {  	v2 =	vld [tilespmem:$0x18840];
	_ =	sdelay $0x4  }
0x85: {  	vm10 =	vgt.s32 v2, $0xC300  }
0x86: {  	vm11 =	vgt.s32 v2, $0xC2FF;
	v2 =	vnsel vm10, $0xC300, v2  }
0x87: {  	v2 =	vadd.s32 $0xFFFF3D00, v2;
	_ =	sdelay $0x4  }
0x88: {  	[tilespmem:v2+s13+$0x0] =	vst.idx.msk vm11, v1  }
0x89: {  	v2 =	vld [tilespmem:$0x18850];
	_ =	sdelay $0x4  }
0x8a: {  	vm12 =	vgt.s32 v2, $0xC300  }
0x8b: {  	vm13 =	vgt.s32 v2, $0xC2FF;
	v2 =	vnsel vm12, $0xC300, v2  }
0x8c: {  	v2 =	vadd.s32 $0xFFFF3D00, v2;
	_ =	sdelay $0x4  }
0x8d: {  	[tilespmem:v2+s13+$0x0] =	vst.idx.msk vm13, v1  }
0x8e: {  	v2 =	vld [tilespmem:$0x18860];
	_ =	sdelay $0x4  }
0x8f: {  	vm14 =	vgt.s32 v2, $0xC300  }
0x90: {  	vm15 =	vgt.s32 v2, $0xC2FF;
	v2 =	vnsel vm14, $0xC300, v2  }
0x91: {  	v2 =	vadd.s32 $0xFFFF3D00, v2;
	_ =	sdelay $0x4  }
0x92: {  	[tilespmem:v2+s13+$0x0] =	vst.idx.msk vm15, v1  }
0x93: {  	v2 =	vld [tilespmem:$0x18870];
	_ =	sdelay $0x4  }
0x94: {  	vm4 =	vgt.s32 v2, $0xC300  }
0x95: {  	vm5 =	vgt.s32 v2, $0xC2FF;
	v2 =	vnsel vm4, $0xC300, v2  }
0x96: {  	v2 =	vadd.s32 $0xFFFF3D00, v2;
	_ =	sdelay $0x4  }
0x97: {  	[tilespmem:v2+s13+$0x0] =	vst.idx.msk vm5, v1  }
0x98: {  	v2 =	vld [tilespmem:$0x18C00];
	_ =	sdelay $0x4  }
0x99: {  	vm6 =	vgt.s32 v2, $0xC300  }
0x9a: {  	vm7 =	vgt.s32 v2, $0xC2FF;
	v2 =	vnsel vm6, $0xC300, v2  }
0x9b: {  	v2 =	vadd.s32 $0xFFFF3D00, v2;
	_ =	sdelay $0x4  }
0x9c: {  	[tilespmem:v2+s13+$0x0] =	vst.idx.msk vm7, v1  }
0x9d: {  	v2 =	vld [tilespmem:$0x18C10];
	_ =	sdelay $0x4  }
0x9e: {  	vm8 =	vgt.s32 v2, $0xC300  }
0x9f: {  	vm9 =	vgt.s32 v2, $0xC2FF;
	v2 =	vnsel vm8, $0xC300, v2  }
0xa0: {  	v2 =	vadd.s32 $0xFFFF3D00, v2;
	_ =	sdelay $0x4  }
0xa1: {  	[tilespmem:v2+s13+$0x0] =	vst.idx.msk vm9, v1  }
0xa2: {  	v2 =	vld [tilespmem:$0x18C20];
	_ =	sdelay $0x4  }
0xa3: {  	vm10 =	vgt.s32 v2, $0xC300  }
0xa4: {  	vm11 =	vgt.s32 v2, $0xC2FF;
	v2 =	vnsel vm10, $0xC300, v2  }
0xa5: {  	v2 =	vadd.s32 $0xFFFF3D00, v2;
	_ =	sdelay $0x4  }
0xa6: {  	[tilespmem:v2+s13+$0x0] =	vst.idx.msk vm11, v1  }
0xa7: {  	v2 =	vld [tilespmem:$0x18C30];
	_ =	sdelay $0x4  }
0xa8: {  	vm12 =	vgt.s32 v2, $0xC300  }
0xa9: {  	vm13 =	vgt.s32 v2, $0xC2FF;
	v2 =	vnsel vm12, $0xC300, v2  }
0xaa: {  	v2 =	vadd.s32 $0xFFFF3D00, v2;
	_ =	sdelay $0x4  }
0xab: {  	[tilespmem:v2+s13+$0x0] =	vst.idx.msk vm13, v1  }
0xac: {  	v2 =	vld [tilespmem:$0x18C38];
	_ =	sdelay $0x4  }
0xad: {  	vm14 =	vgt.s32 v2, $0xC300  }
0xae: {  	vm15 =	vgt.s32 v2, $0xC2FF;
	v2 =	vnsel vm14, $0xC300, v2  }
0xaf: {  	v2 =	vadd.s32 $0xFFFF3D00, v2;
	_ =	sdelay $0x4  }
0xb0: {  	s18 =	simm.s32 $0x0;
	s19 =	smov.u32 s8;
	s17 =	simm.s32 $0x80;
	[tilespmem:v2+s13+$0x0] =	vst.idx.msk vm15, v1  }
0xb1: {  	[hbm4b:s6+s17] =	stream.strided.scatter [tilespmem:s13], [sflag:$0x2], $0xC400, s12, s17, $0x38;
	[tilespmem:$0x1A800] =	vst v63  }
.LBB2_6:
0xb2: {  	_ =	swait.ge [sflag:s14], $0xC300;
	s20 =	sadd.s32 $0xFFFFFF80, s17  }
0xb3: {  	s21 =	sand.u32 $0x7FFFF800, s18;
	[sflag:s14] =	ssyncset.done $0x0;
	s20 =	sand.u32 $0x380, s20  }
0xb4: {  	[sflag:s14] =	ssyncadd.s32 $0xFFFF3D00;
	s24 =	sor.u32 s20, s21  }
0xb5: {  	v2 =	vld [tilespmem:s24+$0x18800];
	_ =	sdelay $0x4  }
0xb6: {  	vm0 =	vlt.s32 v2, $0xC300  }
0xb7: {  	v2 =	vnsel vm0, $0x0, v2;
	_ =	sdelay $0x4  }
0xb8: {  	s21 =	sadd.s32 $0x18800, s24;
	[tilespmem:v2+s2+$0x0] =	vst.idx.msk vm0, v0  }
0xb9: {  	v2 =	vld [tilespmem:s21+$0x10];
	_ =	sdelay $0x4  }
0xba: {  	vm12 =	vlt.s32 v2, $0xC300  }
0xbb: {  	v2 =	vnsel vm12, $0x0, v2;
	_ =	sdelay $0x4  }
0xbc: {  	[tilespmem:v2+s2+$0x0] =	vst.idx.msk vm12, v0  }
0xbd: {  	v2 =	vld [tilespmem:s21+$0x20];
	_ =	sdelay $0x4  }
0xbe: {  	vm13 =	vlt.s32 v2, $0xC300  }
0xbf: {  	v2 =	vnsel vm13, $0x0, v2;
	_ =	sdelay $0x4  }
0xc0: {  	[tilespmem:v2+s2+$0x0] =	vst.idx.msk vm13, v0  }
0xc1: {  	v2 =	vld [tilespmem:s21+$0x30];
	_ =	sdelay $0x4  }
0xc2: {  	vm14 =	vlt.s32 v2, $0xC300  }
0xc3: {  	v2 =	vnsel vm14, $0x0, v2;
	_ =	sdelay $0x4  }
0xc4: {  	[tilespmem:v2+s2+$0x0] =	vst.idx.msk vm14, v0  }
0xc5: {  	v2 =	vld [tilespmem:s21+$0x40];
	_ =	sdelay $0x4  }
0xc6: {  	vm15 =	vlt.s32 v2, $0xC300  }
0xc7: {  	v2 =	vnsel vm15, $0x0, v2;
	_ =	sdelay $0x4  }
0xc8: {  	[tilespmem:v2+s2+$0x0] =	vst.idx.msk vm15, v0  }
0xc9: {  	v2 =	vld [tilespmem:s21+$0x50];
	_ =	sdelay $0x4  }
0xca: {  	vm4 =	vlt.s32 v2, $0xC300  }
0xcb: {  	v2 =	vnsel vm4, $0x0, v2;
	_ =	sdelay $0x4  }
0xcc: {  	[tilespmem:v2+s2+$0x0] =	vst.idx.msk vm4, v0  }
0xcd: {  	v2 =	vld [tilespmem:s21+$0x60];
	_ =	sdelay $0x4  }
0xce: {  	vm5 =	vlt.s32 v2, $0xC300  }
0xcf: {  	v2 =	vnsel vm5, $0x0, v2;
	_ =	sdelay $0x4  }
0xd0: {  	[tilespmem:v2+s2+$0x0] =	vst.idx.msk vm5, v0  }
0xd1: {  	v2 =	vld [tilespmem:s21+$0x70];
	_ =	sdelay $0x4  }
0xd2: {  	vm6 =	vlt.s32 v2, $0xC300  }
0xd3: {  	v2 =	vnsel vm6, $0x0, v2;
	_ =	sdelay $0x4  }
0xd4: {  	[tilespmem:v2+s2+$0x0] =	vst.idx.msk vm6, v0  }
0xd5: {  	v2 =	vld [tilespmem:s21+$0x400];
	_ =	sdelay $0x4  }
0xd6: {  	vm7 =	vlt.s32 v2, $0xC300  }
0xd7: {  	v2 =	vnsel vm7, $0x0, v2;
	_ =	sdelay $0x4  }
0xd8: {  	[tilespmem:v2+s2+$0x0] =	vst.idx.msk vm7, v0  }
0xd9: {  	v2 =	vld [tilespmem:s21+$0x410];
	_ =	sdelay $0x4  }
0xda: {  	vm8 =	vlt.s32 v2, $0xC300  }
0xdb: {  	v2 =	vnsel vm8, $0x0, v2;
	_ =	sdelay $0x4  }
0xdc: {  	[tilespmem:v2+s2+$0x0] =	vst.idx.msk vm8, v0  }
0xdd: {  	v2 =	vld [tilespmem:s21+$0x420];
	_ =	sdelay $0x4  }
0xde: {  	vm9 =	vlt.s32 v2, $0xC300  }
0xdf: {  	v2 =	vnsel vm9, $0x0, v2;
	_ =	sdelay $0x4  }
0xe0: {  	[tilespmem:v2+s2+$0x0] =	vst.idx.msk vm9, v0  }
0xe1: {  	v2 =	vld [tilespmem:s21+$0x430];
	_ =	sdelay $0x4  }
0xe2: {  	vm10 =	vlt.s32 v2, $0xC300  }
0xe3: {  	v2 =	vnsel vm10, $0x0, v2;
	_ =	sdelay $0x4  }
0xe4: {  	[tilespmem:v2+s2+$0x0] =	vst.idx.msk vm10, v0  }
0xe5: {  	v2 =	vld [tilespmem:s21+$0x438];
	_ =	sdelay $0x4  }
0xe6: {  	vm11 =	vlt.s32 v2, $0xC300  }
0xe7: {  	v2 =	vnsel vm11, $0x0, v2;
	_ =	sdelay $0x2  }
0xe8: {  	s18 =	sadd.s32 $0x100, s18  }
0xe9: {  	s22 =	sand.u32 $0x380, s17;
	s30 =	sand.u32 $0x1800, s18  }
0xea: {  	s23 =	sor.u32 s22, s30;
	[tilespmem:v2+s2+$0x0] =	vst.idx.msk vm11, v0  }
0xeb: {  	v2 =	vld [tilespmem:s23+$0x18800];
	_ =	sdelay $0x4  }
0xec: {  	vm12 =	vlt.s32 v2, $0xC300  }
0xed: {  	v2 =	vnsel vm12, $0x0, v2;
	_ =	sdelay $0x4  }
0xee: {  	s20 =	sadd.s32 $0x18800, s23;
	[tilespmem:v2+s2+$0x0] =	vst.idx.msk vm12, v1  }
0xef: {  	v2 =	vld [tilespmem:s20+$0x10];
	_ =	sdelay $0x4  }
0xf0: {  	vm13 =	vlt.s32 v2, $0xC300  }
0xf1: {  	v2 =	vnsel vm13, $0x0, v2;
	_ =	sdelay $0x4  }
0xf2: {  	[tilespmem:v2+s2+$0x0] =	vst.idx.msk vm13, v1  }
0xf3: {  	v2 =	vld [tilespmem:s20+$0x20];
	_ =	sdelay $0x4  }
0xf4: {  	vm14 =	vlt.s32 v2, $0xC300  }
0xf5: {  	v2 =	vnsel vm14, $0x0, v2;
	_ =	sdelay $0x4  }
0xf6: {  	[tilespmem:v2+s2+$0x0] =	vst.idx.msk vm14, v1  }
0xf7: {  	v2 =	vld [tilespmem:s20+$0x30];
	_ =	sdelay $0x4  }
0xf8: {  	vm15 =	vlt.s32 v2, $0xC300  }
0xf9: {  	v2 =	vnsel vm15, $0x0, v2;
	_ =	sdelay $0x4  }
0xfa: {  	[tilespmem:v2+s2+$0x0] =	vst.idx.msk vm15, v1  }
0xfb: {  	v2 =	vld [tilespmem:s20+$0x40];
	_ =	sdelay $0x4  }
0xfc: {  	vm4 =	vlt.s32 v2, $0xC300  }
0xfd: {  	v2 =	vnsel vm4, $0x0, v2;
	_ =	sdelay $0x4  }
0xfe: {  	[tilespmem:v2+s2+$0x0] =	vst.idx.msk vm4, v1  }
0xff: {  	v2 =	vld [tilespmem:s20+$0x50];
	_ =	sdelay $0x4  }
0x100: {  	vm5 =	vlt.s32 v2, $0xC300  }
0x101: {  	v2 =	vnsel vm5, $0x0, v2;
	_ =	sdelay $0x4  }
0x102: {  	[tilespmem:v2+s2+$0x0] =	vst.idx.msk vm5, v1  }
0x103: {  	v2 =	vld [tilespmem:s20+$0x60];
	_ =	sdelay $0x4  }
0x104: {  	vm6 =	vlt.s32 v2, $0xC300  }
0x105: {  	v2 =	vnsel vm6, $0x0, v2;
	_ =	sdelay $0x4  }
0x106: {  	[tilespmem:v2+s2+$0x0] =	vst.idx.msk vm6, v1  }
0x107: {  	v2 =	vld [tilespmem:s20+$0x70];
	_ =	sdelay $0x4  }
0x108: {  	vm7 =	vlt.s32 v2, $0xC300  }
0x109: {  	v2 =	vnsel vm7, $0x0, v2;
	_ =	sdelay $0x4  }
0x10a: {  	[tilespmem:v2+s2+$0x0] =	vst.idx.msk vm7, v1  }
0x10b: {  	v2 =	vld [tilespmem:s20+$0x400];
	_ =	sdelay $0x4  }
0x10c: {  	vm8 =	vlt.s32 v2, $0xC300  }
0x10d: {  	v2 =	vnsel vm8, $0x0, v2;
	_ =	sdelay $0x4  }
0x10e: {  	[tilespmem:v2+s2+$0x0] =	vst.idx.msk vm8, v1  }
0x10f: {  	v2 =	vld [tilespmem:s20+$0x410];
	_ =	sdelay $0x4  }
0x110: {  	vm9 =	vlt.s32 v2, $0xC300  }
0x111: {  	v2 =	vnsel vm9, $0x0, v2;
	_ =	sdelay $0x4  }
0x112: {  	[tilespmem:v2+s2+$0x0] =	vst.idx.msk vm9, v1  }
0x113: {  	v2 =	vld [tilespmem:s20+$0x420];
	_ =	sdelay $0x4  }
0x114: {  	vm10 =	vlt.s32 v2, $0xC300  }
0x115: {  	v2 =	vnsel vm10, $0x0, v2;
	_ =	sdelay $0x4  }
0x116: {  	[tilespmem:v2+s2+$0x0] =	vst.idx.msk vm10, v1  }
0x117: {  	v2 =	vld [tilespmem:s20+$0x430];
	_ =	sdelay $0x4  }
0x118: {  	vm11 =	vlt.s32 v2, $0xC300  }
0x119: {  	v2 =	vnsel vm11, $0x0, v2;
	_ =	sdelay $0x4  }
0x11a: {  	[tilespmem:v2+s2+$0x0] =	vst.idx.msk vm11, v1  }
0x11b: {  	v2 =	vld [tilespmem:s20+$0x438];
	_ =	sdelay $0x4  }
0x11c: {  	vm12 =	vlt.s32 v2, $0xC300  }
0x11d: {  	s25 =	sshrl.u32 s19, $0x3;
	v2 =	vnsel vm12, $0x0, v2  }
0x11e: {  	s25 =	smul.u32 $0xC3800, s25;
	_ =	sdelay $0x1  }
0x11f: {  	s22 =	sor.u32 s22, s25  }
0x120: {  	s25 =	sshrl.u32 s22, $0x3  }
0x121: {  	s25 =	sadd.s32 s3, s25;
	[tilespmem:v2+s2+$0x0] =	vst.idx.msk vm12, v1  }
0x122: {  	[hbm4b:s25+s11] =	stream.strided.scatter [tilespmem:s2], [sflag:$0x1], $0xC300, s12, s11, $0x38;
	[tilespmem:$0x1A800] =	vst v63  }
0x123: {  	_ =	swait.ge [sflag:s15], $0xC400  }
0x124: {  	[sflag:s15] =	ssyncset.done $0x0  }
0x125: {  	[sflag:s15] =	ssyncadd.s32 $0xFFFF3C00  }
0x126: {  	v2 =	vld [tilespmem:s24+$0x18800];
	_ =	sdelay $0x4  }
0x127: {  	vm13 =	vgt.s32 v2, $0xC300  }
0x128: {  	vm1 =	vgt.s32 v2, $0xC2FF;
	v2 =	vnsel vm13, $0xC300, v2  }
0x129: {  	v2 =	vadd.s32 $0xFFFF3D00, v2;
	_ =	sdelay $0x4  }
0x12a: {  	[tilespmem:v2+s13+$0x0] =	vst.idx.msk vm1, v0  }
0x12b: {  	v2 =	vld [tilespmem:s21+$0x10];
	_ =	sdelay $0x4  }
0x12c: {  	vm14 =	vgt.s32 v2, $0xC300  }
0x12d: {  	vm15 =	vgt.s32 v2, $0xC2FF;
	v2 =	vnsel vm14, $0xC300, v2  }
0x12e: {  	v2 =	vadd.s32 $0xFFFF3D00, v2;
	_ =	sdelay $0x4  }
0x12f: {  	[tilespmem:v2+s13+$0x0] =	vst.idx.msk vm15, v0  }
0x130: {  	v2 =	vld [tilespmem:s21+$0x20];
	_ =	sdelay $0x4  }
0x131: {  	vm4 =	vgt.s32 v2, $0xC300  }
0x132: {  	vm5 =	vgt.s32 v2, $0xC2FF;
	v2 =	vnsel vm4, $0xC300, v2  }
0x133: {  	v2 =	vadd.s32 $0xFFFF3D00, v2;
	_ =	sdelay $0x4  }
0x134: {  	[tilespmem:v2+s13+$0x0] =	vst.idx.msk vm5, v0  }
0x135: {  	v2 =	vld [tilespmem:s21+$0x30];
	_ =	sdelay $0x4  }
0x136: {  	vm6 =	vgt.s32 v2, $0xC300  }
0x137: {  	vm7 =	vgt.s32 v2, $0xC2FF;
	v2 =	vnsel vm6, $0xC300, v2  }
0x138: {  	v2 =	vadd.s32 $0xFFFF3D00, v2;
	_ =	sdelay $0x4  }
0x139: {  	[tilespmem:v2+s13+$0x0] =	vst.idx.msk vm7, v0  }
0x13a: {  	v2 =	vld [tilespmem:s21+$0x40];
	_ =	sdelay $0x4  }
0x13b: {  	vm8 =	vgt.s32 v2, $0xC300  }
0x13c: {  	vm9 =	vgt.s32 v2, $0xC2FF;
	v2 =	vnsel vm8, $0xC300, v2  }
0x13d: {  	v2 =	vadd.s32 $0xFFFF3D00, v2;
	_ =	sdelay $0x4  }
0x13e: {  	[tilespmem:v2+s13+$0x0] =	vst.idx.msk vm9, v0  }
0x13f: {  	v2 =	vld [tilespmem:s21+$0x50];
	_ =	sdelay $0x4  }
0x140: {  	vm10 =	vgt.s32 v2, $0xC300  }
0x141: {  	vm11 =	vgt.s32 v2, $0xC2FF;
	v2 =	vnsel vm10, $0xC300, v2  }
0x142: {  	v2 =	vadd.s32 $0xFFFF3D00, v2;
	_ =	sdelay $0x4  }
0x143: {  	[tilespmem:v2+s13+$0x0] =	vst.idx.msk vm11, v0  }
0x144: {  	v2 =	vld [tilespmem:s21+$0x60];
	_ =	sdelay $0x4  }
0x145: {  	vm12 =	vgt.s32 v2, $0xC300  }
0x146: {  	vm13 =	vgt.s32 v2, $0xC2FF;
	v2 =	vnsel vm12, $0xC300, v2  }
0x147: {  	v2 =	vadd.s32 $0xFFFF3D00, v2;
	_ =	sdelay $0x4  }
0x148: {  	[tilespmem:v2+s13+$0x0] =	vst.idx.msk vm13, v0  }
0x149: {  	v2 =	vld [tilespmem:s21+$0x70];
	_ =	sdelay $0x4  }
0x14a: {  	vm14 =	vgt.s32 v2, $0xC300  }
0x14b: {  	vm15 =	vgt.s32 v2, $0xC2FF;
	v2 =	vnsel vm14, $0xC300, v2  }
0x14c: {  	v2 =	vadd.s32 $0xFFFF3D00, v2;
	_ =	sdelay $0x4  }
0x14d: {  	[tilespmem:v2+s13+$0x0] =	vst.idx.msk vm15, v0  }
0x14e: {  	v2 =	vld [tilespmem:s21+$0x400];
	_ =	sdelay $0x4  }
0x14f: {  	vm4 =	vgt.s32 v2, $0xC300  }
0x150: {  	vm5 =	vgt.s32 v2, $0xC2FF;
	v2 =	vnsel vm4, $0xC300, v2  }
0x151: {  	v2 =	vadd.s32 $0xFFFF3D00, v2;
	_ =	sdelay $0x4  }
0x152: {  	[tilespmem:v2+s13+$0x0] =	vst.idx.msk vm5, v0  }
0x153: {  	v2 =	vld [tilespmem:s21+$0x410];
	_ =	sdelay $0x4  }
0x154: {  	vm6 =	vgt.s32 v2, $0xC300  }
0x155: {  	vm7 =	vgt.s32 v2, $0xC2FF;
	v2 =	vnsel vm6, $0xC300, v2  }
0x156: {  	v2 =	vadd.s32 $0xFFFF3D00, v2;
	_ =	sdelay $0x4  }
0x157: {  	[tilespmem:v2+s13+$0x0] =	vst.idx.msk vm7, v0  }
0x158: {  	v2 =	vld [tilespmem:s21+$0x420];
	_ =	sdelay $0x4  }
0x159: {  	vm8 =	vgt.s32 v2, $0xC300  }
0x15a: {  	vm9 =	vgt.s32 v2, $0xC2FF;
	v2 =	vnsel vm8, $0xC300, v2  }
0x15b: {  	v2 =	vadd.s32 $0xFFFF3D00, v2;
	_ =	sdelay $0x4  }
0x15c: {  	[tilespmem:v2+s13+$0x0] =	vst.idx.msk vm9, v0  }
0x15d: {  	v2 =	vld [tilespmem:s21+$0x430];
	_ =	sdelay $0x4  }
0x15e: {  	vm10 =	vgt.s32 v2, $0xC300  }
0x15f: {  	vm11 =	vgt.s32 v2, $0xC2FF;
	v2 =	vnsel vm10, $0xC300, v2  }
0x160: {  	v2 =	vadd.s32 $0xFFFF3D00, v2;
	_ =	sdelay $0x4  }
0x161: {  	[tilespmem:v2+s13+$0x0] =	vst.idx.msk vm11, v0  }
0x162: {  	v2 =	vld [tilespmem:s21+$0x438];
	_ =	sdelay $0x4  }
0x163: {  	vm12 =	vgt.s32 v2, $0xC300  }
0x164: {  	vm13 =	vgt.s32 v2, $0xC2FF;
	v2 =	vnsel vm12, $0xC300, v2  }
0x165: {  	v2 =	vadd.s32 $0xFFFF3D00, v2;
	_ =	sdelay $0x4  }
0x166: {  	[tilespmem:v2+s13+$0x0] =	vst.idx.msk vm13, v0  }
0x167: {  	v2 =	vld [tilespmem:s23+$0x18800];
	_ =	sdelay $0x4  }
0x168: {  	vm14 =	vgt.s32 v2, $0xC300  }
0x169: {  	vm15 =	vgt.s32 v2, $0xC2FF;
	v2 =	vnsel vm14, $0xC300, v2  }
0x16a: {  	v2 =	vadd.s32 $0xFFFF3D00, v2;
	_ =	sdelay $0x4  }
0x16b: {  	[tilespmem:v2+s13+$0x0] =	vst.idx.msk vm15, v1  }
0x16c: {  	v2 =	vld [tilespmem:s20+$0x10];
	_ =	sdelay $0x4  }
0x16d: {  	vm4 =	vgt.s32 v2, $0xC300  }
0x16e: {  	vm5 =	vgt.s32 v2, $0xC2FF;
	v2 =	vnsel vm4, $0xC300, v2  }
0x16f: {  	v2 =	vadd.s32 $0xFFFF3D00, v2;
	_ =	sdelay $0x4  }
0x170: {  	[tilespmem:v2+s13+$0x0] =	vst.idx.msk vm5, v1  }
0x171: {  	v2 =	vld [tilespmem:s20+$0x20];
	_ =	sdelay $0x4  }
0x172: {  	vm6 =	vgt.s32 v2, $0xC300  }
0x173: {  	vm7 =	vgt.s32 v2, $0xC2FF;
	v2 =	vnsel vm6, $0xC300, v2  }
0x174: {  	v2 =	vadd.s32 $0xFFFF3D00, v2;
	_ =	sdelay $0x4  }
0x175: {  	[tilespmem:v2+s13+$0x0] =	vst.idx.msk vm7, v1  }
0x176: {  	v2 =	vld [tilespmem:s20+$0x30];
	_ =	sdelay $0x4  }
0x177: {  	vm8 =	vgt.s32 v2, $0xC300  }
0x178: {  	vm9 =	vgt.s32 v2, $0xC2FF;
	v2 =	vnsel vm8, $0xC300, v2  }
0x179: {  	v2 =	vadd.s32 $0xFFFF3D00, v2;
	_ =	sdelay $0x4  }
0x17a: {  	[tilespmem:v2+s13+$0x0] =	vst.idx.msk vm9, v1  }
0x17b: {  	v2 =	vld [tilespmem:s20+$0x40];
	_ =	sdelay $0x4  }
0x17c: {  	vm10 =	vgt.s32 v2, $0xC300  }
0x17d: {  	vm11 =	vgt.s32 v2, $0xC2FF;
	v2 =	vnsel vm10, $0xC300, v2  }
0x17e: {  	v2 =	vadd.s32 $0xFFFF3D00, v2;
	_ =	sdelay $0x4  }
0x17f: {  	[tilespmem:v2+s13+$0x0] =	vst.idx.msk vm11, v1  }
0x180: {  	v2 =	vld [tilespmem:s20+$0x50];
	_ =	sdelay $0x4  }
0x181: {  	vm12 =	vgt.s32 v2, $0xC300  }
0x182: {  	vm13 =	vgt.s32 v2, $0xC2FF;
	v2 =	vnsel vm12, $0xC300, v2  }
0x183: {  	v2 =	vadd.s32 $0xFFFF3D00, v2;
	_ =	sdelay $0x4  }
0x184: {  	[tilespmem:v2+s13+$0x0] =	vst.idx.msk vm13, v1  }
0x185: {  	v2 =	vld [tilespmem:s20+$0x60];
	_ =	sdelay $0x4  }
0x186: {  	vm14 =	vgt.s32 v2, $0xC300  }
0x187: {  	vm15 =	vgt.s32 v2, $0xC2FF;
	v2 =	vnsel vm14, $0xC300, v2  }
0x188: {  	v2 =	vadd.s32 $0xFFFF3D00, v2;
	_ =	sdelay $0x4  }
0x189: {  	[tilespmem:v2+s13+$0x0] =	vst.idx.msk vm15, v1  }
0x18a: {  	v2 =	vld [tilespmem:s20+$0x70];
	_ =	sdelay $0x4  }
0x18b: {  	vm4 =	vgt.s32 v2, $0xC300  }
0x18c: {  	vm5 =	vgt.s32 v2, $0xC2FF;
	v2 =	vnsel vm4, $0xC300, v2  }
0x18d: {  	v2 =	vadd.s32 $0xFFFF3D00, v2;
	_ =	sdelay $0x4  }
0x18e: {  	[tilespmem:v2+s13+$0x0] =	vst.idx.msk vm5, v1  }
0x18f: {  	v2 =	vld [tilespmem:s20+$0x400];
	_ =	sdelay $0x4  }
0x190: {  	vm6 =	vgt.s32 v2, $0xC300  }
0x191: {  	vm7 =	vgt.s32 v2, $0xC2FF;
	v2 =	vnsel vm6, $0xC300, v2  }
0x192: {  	v2 =	vadd.s32 $0xFFFF3D00, v2;
	_ =	sdelay $0x4  }
0x193: {  	[tilespmem:v2+s13+$0x0] =	vst.idx.msk vm7, v1  }
0x194: {  	v2 =	vld [tilespmem:s20+$0x410];
	_ =	sdelay $0x4  }
0x195: {  	vm8 =	vgt.s32 v2, $0xC300  }
0x196: {  	vm9 =	vgt.s32 v2, $0xC2FF;
	v2 =	vnsel vm8, $0xC300, v2  }
0x197: {  	v2 =	vadd.s32 $0xFFFF3D00, v2;
	_ =	sdelay $0x4  }
0x198: {  	[tilespmem:v2+s13+$0x0] =	vst.idx.msk vm9, v1  }
0x199: {  	v2 =	vld [tilespmem:s20+$0x420];
	_ =	sdelay $0x4  }
0x19a: {  	vm10 =	vgt.s32 v2, $0xC300  }
0x19b: {  	vm11 =	vgt.s32 v2, $0xC2FF;
	v2 =	vnsel vm10, $0xC300, v2  }
0x19c: {  	v2 =	vadd.s32 $0xFFFF3D00, v2;
	_ =	sdelay $0x4  }
0x19d: {  	[tilespmem:v2+s13+$0x0] =	vst.idx.msk vm11, v1  }
0x19e: {  	v2 =	vld [tilespmem:s20+$0x430];
	_ =	sdelay $0x4  }
0x19f: {  	vm12 =	vgt.s32 v2, $0xC300  }
0x1a0: {  	vm13 =	vgt.s32 v2, $0xC2FF;
	v2 =	vnsel vm12, $0xC300, v2  }
0x1a1: {  	v2 =	vadd.s32 $0xFFFF3D00, v2;
	_ =	sdelay $0x4  }
0x1a2: {  	[tilespmem:v2+s13+$0x0] =	vst.idx.msk vm13, v1  }
0x1a3: {  	v2 =	vld [tilespmem:s20+$0x438];
	_ =	sdelay $0x4  }
0x1a4: {  	vm14 =	vgt.s32 v2, $0xC300  }
0x1a5: {  	vm15 =	vgt.s32 v2, $0xC2FF;
	v2 =	vnsel vm14, $0xC300, v2  }
0x1a6: {  	v2 =	vadd.s32 $0xFFFF3D00, v2  }
0x1a7: {  	p0 =	sne.s32 s17, $0xF80  }
.Ltmp2:
0x1a8: {  	_ = 	snop;
	(pc) =	sbr.rel @p0 .LBB2_6-.Ltmp2, $4  }
0x1a9: {  	s31 =	sadd.s32 $0x61800, s22  }
0x1aa: {  	s20 =	sshrl.u32 s31, $0x3  }
0x1ab: {  	s19 =	sadd.s32 $0x1, s19;
	s17 =	sadd.s32 $0x80, s17;
	s20 =	sadd.s32 s3, s20;
	[tilespmem:v2+s13+$0x0] =	vst.idx.msk vm15, v1  }
0x1ac: {  	[hbm4b:s20+s11] =	stream.strided.scatter [tilespmem:s13], [sflag:$0x2], $0xC400, s12, s11, $0x38;
	[tilespmem:$0x1A800] =	vst v63  }
0x1ad: {  	s16 =	sadd.s32 $0x1, s16  }
0x1ae: {  	_ =	swait.ge [sflag:s14], $0xC300;
	p0 =	sne.s32 s16, s7  }
.Ltmp3:
0x1af: {  	[sflag:s14] =	ssyncset.done $0x0;
	(pc) =	sbr.rel @p0 .LBB2_1-.Ltmp3, $4  }
0x1b0: {  	[sflag:s14] =	ssyncadd.s32 $0xFFFF3D00  }
0x1b1: {  	_ =	swait.ge [sflag:s15], $0xC400  }
0x1b2: {  	[sflag:s15] =	ssyncset.done $0x0  }
0x1b3: {  	[sflag:s15] =	ssyncadd.s32 $0xFFFF3C00  }
0x1b4: {  	_ =	sfence.sel $0x180000  }
0x1b5: {  	[bflag:$0x0] =	sbarrier.arrive $0xFFFF  }
0x1b6: {  	p0 =	sne.s32 s0, $0x0;
	_ =	strace $0x90000047  }
0x1b7: {  	s0 =	sadd.s32 @!p0 $0x100000, s1;
	[bflag:$0x2] =	sbarrier.arrive $0xFFFF  }
0x1b8: {  	[sflag:s0] =	ssyncadd.tile.s32 @!p0 $0x1;
	_ =	shalt  }
.Lfunc_end2:
_tile_overlayer_lowered:
.L_overlay_start_2:
0x1b9: {  	(tag) =	ssettag $0x2  }
0x1ba: {  	s0 =	rddreg [dreg:$0x0];
	s2 =	stileid.u32  }
0x1bb: {  	s1 =	rddreg [dreg:$0x1];
	p0 =	sne.s32 s2, $0x0  }
0x1bc: {  	s3 =	rddreg [dreg:$0x2];
	[bflag:$0x3] =	sbarrier.arrive $0xFFFF;
	s2 =	simm.s32 @!p0 $0x1C04  }
0x1bd: {  	[timem:s3], [sflag:s2] =	dma.local @!p0 [hbm:s0], s1  }
0x1be: {  	s0 =	simm.s32 @!p0 $0x4  }
0x1bf: {  	_ =	swait.ge @!p0 [sflag:s0], s1  }
0x1c0: {  	s1 =	ssub.s32 @!p0 $0x0, s1;
	[sflag:s0] =	ssyncset.done @!p0 $0x0  }
0x1c1: {  	[sflag:s0] =	ssyncadd.s32 @!p0 s1  }
0x1c2: {  	[bflag:$0x3] =	sbarrier.arrive $0xFFFF  }
0x1c3: {  	_ =	shalt  }

</sc_bundles>
